<compile_context>
chip_gen: v7x
topology: tpu7x:2x2x1
jax: 0.10.2.dev20260603
libtpu: 0.0.44.dev20260713+nightly
codegen_flags: <defaults>
</compile_context>

<pallas_src>
import functools

import numpy as np
import jax
import jax.numpy as jnp
from jax import lax
from jax.experimental import pallas as pl
from jax.experimental.pallas import tpu as pltpu
from jax.experimental.pallas import tpu_sc as plsc

V, D, B, L, OUT = 100000, 300, 1024, 200, 256
NC, NS = 2, 16
NW = NC * NS
R = 2 * B
ROWS_W = B // (NW // 2)
G = 104
COUNTS = (G, L - G)
NJ = OUT // 32
MBLK = 5000

_PERM = np.empty((OUT,), np.int32)
for _p in range(128):
  _PERM[_p] = 32 * (_p // 16) + (_p % 16)
  _PERM[128 + _p] = 32 * (_p // 16) + 16 + (_p % 16)


def _pool_kernel(idx1_hbm, idx2_hbm, tw_hbm, bias_hbm, out1_hbm, out2_hbm,
                 idx_v, buf0, buf1, bias_v, obuf_v, sem0, sem1):
  wid = lax.axis_index("s") * NC + lax.axis_index("c")
  first = wid < (NW // 2)
  lw = lax.select(first, wid, wid - NW // 2)
  idx_base = lw * (ROWS_W * L)

  @pl.when(first)
  def _():
    pltpu.sync_copy(idx1_hbm.at[pl.ds(idx_base, ROWS_W * L)], idx_v)

  @pl.when(jnp.logical_not(first))
  def _():
    pltpu.sync_copy(idx2_hbm.at[pl.ds(idx_base, ROWS_W * L)], idx_v)

  pltpu.sync_copy(bias_hbm, bias_v)

  bufs = (buf0, buf1)
  sems = (sem0, sem1)

  def start_gather(b, k):
    pltpu.make_async_copy(
        tw_hbm.at[idx_v.at[pl.ds(b * L + k * G, COUNTS[k])]],
        bufs[k], sems[k]).start()

  start_gather(jnp.int32(0), 0)

  inv_l = jnp.float32(1.0 / L)

  def row_body(b, carry):
    acc = [jnp.zeros((16,), jnp.float32)] * (2 * NJ)
    for k in range(2):
      pltpu.make_async_copy(
          tw_hbm.at[idx_v.at[pl.ds(b * L + k * G, COUNTS[k])]],
          bufs[k], sems[k]).wait()

      if k == 0:
        start_gather(b, 1)
      else:
        @pl.when(b + 1 < ROWS_W)
        def _():
          start_gather(b + 1, 0)

      buf = bufs[k]

      def accum_body(l, acc):
        acc = list(acc)
        for j in range(NJ):
          v = buf[l, pl.ds(16 * j, 16)]
          lo = plsc.bitcast(lax.shift_left(v, 16), jnp.float32)
          hi = plsc.bitcast(
              lax.bitwise_and(v, jnp.int32(-65536)), jnp.float32)
          acc[2 * j] = acc[2 * j] + lo
          acc[2 * j + 1] = acc[2 * j + 1] + hi
        return tuple(acc)

      acc = lax.fori_loop(0, COUNTS[k], accum_body, tuple(acc))

    for c in range(2 * NJ):
      obuf_v[b, pl.ds(c * 16, 16)] = (
          acc[c] * inv_l + bias_v[pl.ds(c * 16, 16)])
    return carry

  lax.fori_loop(0, ROWS_W, row_body, jnp.int32(0))

  @pl.when(first)
  def _():
    pltpu.sync_copy(obuf_v, out1_hbm.at[pl.ds(lw * ROWS_W, ROWS_W)])

  @pl.when(jnp.logical_not(first))
  def _():
    pltpu.sync_copy(obuf_v, out2_hbm.at[pl.ds(lw * ROWS_W, ROWS_W)])


def _mm_kernel(x_ref, wt_ref, o_ref):
  r = jnp.dot(x_ref[...], wt_ref[...], preferred_element_type=jnp.float32)
  def bf16_bits(x):
    return lax.bitcast_convert_type(
        x.astype(jnp.bfloat16).astype(jnp.float32), jnp.int32)
  lo = lax.shift_right_logical(bf16_bits(r[:, :OUT // 2]), 16)
  hi = lax.bitwise_and(bf16_bits(r[:, OUT // 2:]), jnp.int32(-65536))
  o_ref[...] = lax.bitwise_or(hi, lo)


@jax.jit
def _fused(inputs_1, inputs_2, table, W, b):
  wt = W.T[:, jnp.asarray(_PERM)]

  tablew = pl.pallas_call(
      _mm_kernel,
      grid=(V // MBLK,),
      in_specs=[
          pl.BlockSpec((MBLK, D), lambda i: (i, 0)),
          pl.BlockSpec((D, OUT), lambda i: (0, 0)),
      ],
      out_specs=pl.BlockSpec((MBLK, OUT // 2), lambda i: (i, 0)),
      out_shape=jax.ShapeDtypeStruct((V, OUT // 2), jnp.int32),
  )(table, wt)

  mesh = plsc.VectorSubcoreMesh(core_axis_name="c", subcore_axis_name="s",
                                num_cores=NC, num_subcores=NS)
  return pl.kernel(
      _pool_kernel,
      out_type=(jax.ShapeDtypeStruct((B, OUT), jnp.float32),
                jax.ShapeDtypeStruct((B, OUT), jnp.float32)),
      mesh=mesh,
      compiler_params=pltpu.CompilerParams(use_tc_tiling_on_sc=False,
                                           needs_layout_passes=False),
      scratch_types=[
          pltpu.VMEM((ROWS_W * L,), jnp.int32),
          pltpu.VMEM((COUNTS[0], OUT // 2), jnp.int32),
          pltpu.VMEM((COUNTS[1], OUT // 2), jnp.int32),
          pltpu.VMEM((OUT,), jnp.float32),
          pltpu.VMEM((ROWS_W, OUT), jnp.float32),
          pltpu.SemaphoreType.DMA,
          pltpu.SemaphoreType.DMA,
      ],
  )(inputs_1.reshape(-1), inputs_2.reshape(-1), tablew, b)


def kernel(inputs_1, inputs_2, table, W, b):
  return _fused(inputs_1, inputs_2, table, W, b)

# --- scband reference (transcript-rebuilt; emitter-appended) ---
"""Pipeline reference for scband-model-g-9062380994928 (READ-ONLY COPY).

The authoritative reference and input builder live on the scoring server;
editing this copy changes nothing except your own understanding.
"""

import jax, jax.numpy as jnp
import numpy as np

V, D, B, L, OUT = 100000, 300, 1024, 200, 256

def setup_inputs(seed: int = 0) -> dict:
    key = jax.random.key(seed)
    k1, k2, k3, k4 = jax.random.split(key, 4)
    table = jax.random.normal(k1, (V, D), dtype=jnp.float32) * 0.02
    W = jax.random.normal(k2, (OUT, D), dtype=jnp.float32) * 0.05
    b = jnp.zeros((OUT,), dtype=jnp.float32)
    inputs_1 = jax.random.randint(k3, (B, L), 0, V, dtype=jnp.int32)
    inputs_2 = jax.random.randint(k4, (B, L), 0, V, dtype=jnp.int32)
    return {"inputs_1": inputs_1, "inputs_2": inputs_2, "table": table, "W": W, "b": b}

def reference(inputs_1, inputs_2, table, W, b):
    def forward_once(data):
        ebd = jnp.take(table, data, axis=0)          # [B, L, D] embedding gather
        avg_sentence_ebd = jnp.mean(ebd, axis=1)     # [B, D]
        return avg_sentence_ebd @ W.T + b            # fc: Linear(300, 256)
    out_1 = forward_once(inputs_1)
    out_2 = forward_once(inputs_2)
    return (out_1, out_2)

if __name__ == "__main__":
    import jax
    _d = setup_inputs()
    print(jax.jit(kernel)(*tuple(_d.values())))

</pallas_src>

<mosaic_0001>
#map = affine_map<(d0, d1) -> (0)>
#map1 = affine_map<(d0, d1) -> (0, 0)>
module attributes {stable_mosaic.version = 14 : i64} {
  func.func @_pool_kernel(%arg0: i32, %arg1: i32, %arg2: memref<204800xi32, #tpu.memory_space<hbm>>, %arg3: memref<204800xi32, #tpu.memory_space<hbm>>, %arg4: memref<100000x128xi32, #tpu.memory_space<hbm>>, %arg5: memref<256xf32, #tpu.memory_space<hbm>>, %arg6: memref<1024x256xf32, #tpu.memory_space<hbm>>, %arg7: memref<1024x256xf32, #tpu.memory_space<hbm>>, %arg8: memref<12800xi32, #tpu.memory_space<vmem>>, %arg9: memref<104x128xi32, #tpu.memory_space<vmem>>, %arg10: memref<96x128xi32, #tpu.memory_space<vmem>>, %arg11: memref<256xf32, #tpu.memory_space<vmem>>, %arg12: memref<64x256xf32, #tpu.memory_space<vmem>>, %arg13: memref<!tpu.dma_semaphore, #tpu.memory_space<semaphore_mem>>, %arg14: memref<!tpu.dma_semaphore, #tpu.memory_space<semaphore_mem>>) attributes {dimension_semantics = [#tpu.dimension_semantics<core_parallel>, #tpu.dimension_semantics<subcore_parallel>], iteration_bounds = array<i64: 2, 16>, scalar_prefetch = 0 : i64, scratch_operands = 7 : i64, tpu.core_type = #tpu.core_type<sc_vector_subcore>, window_params = [{transform_indices = #map}, {transform_indices = #map}, {transform_indices = #map1}, {transform_indices = #map}, {transform_indices = #map1}, {transform_indices = #map1}]} {
    %mul3A = arith.constant 2 : i32
    %mul3A_0 = arith.muli %arg1, %mul3A : i32
    %add3A = arith.addi %mul3A_0, %arg0 : i32
    %lt3A = arith.constant 16 : i32
    %lt3A_1 = arith.cmpi slt, %add3A, %lt3A : i32
    %sub3A = arith.constant 16 : i32
    %sub3A_2 = arith.subi %add3A, %sub3A : i32
    %select_n3A = arith.select %lt3A_1, %add3A, %sub3A_2 : i32
    %mul3A_3 = arith.constant 12800 : i32
    %mul3A_4 = arith.muli %select_n3A, %mul3A_3 : i32
    %convert_element_type3A = arith.extui %lt3A_1 : i1 to i32
    %cond3A = arith.constant 0 : i32
    %cond3A_5 = arith.cmpi ne, %convert_element_type3A, %cond3A : i32
    scf.if %cond3A_5 {
      "tpu.region"() ({
        %run_scoped3A = tpu.sem_alloc : memref<!tpu.dma_semaphore, #tpu.memory_space<semaphore_mem>>
        %dma_start3A_32 = tpu.memref_slice %arg2[%mul3A_4] : memref<204800xi32, #tpu.memory_space<hbm>> -> memref<12800xi32, #tpu.memory_space<hbm>>
        %dma_start3A_33 = tpu.memref_slice %arg2[%mul3A_4] : memref<204800xi32, #tpu.memory_space<hbm>> -> memref<12800xi32, #tpu.memory_space<hbm>>
        tpu.enqueue_dma source(%dma_start3A_33 : memref<12800xi32, #tpu.memory_space<hbm>>) target(%arg8 : memref<12800xi32, #tpu.memory_space<vmem>>) target_semaphore(%run_scoped3A : memref<!tpu.dma_semaphore, #tpu.memory_space<semaphore_mem>>)
        %dma_wait3A = tpu.memref_slice %arg2[%mul3A_4] : memref<204800xi32, #tpu.memory_space<hbm>> -> memref<12800xi32, #tpu.memory_space<hbm>>
        %dma_wait3A_34 = tpu.memref_slice %arg2[%mul3A_4] : memref<204800xi32, #tpu.memory_space<hbm>> -> memref<12800xi32, #tpu.memory_space<hbm>>
        tpu.wait_dma2 semaphore(%run_scoped3A : memref<!tpu.dma_semaphore, #tpu.memory_space<semaphore_mem>>) src(%dma_wait3A_34 : memref<12800xi32, #tpu.memory_space<hbm>>) dst(%arg8 : memref<12800xi32, #tpu.memory_space<vmem>>)
        tpu.yield
      }) : () -> ()
    } else {
    }
    %not3A = arith.constant true
    %not3A_6 = arith.xori %lt3A_1, %not3A : i1
    %convert_element_type3A_7 = arith.extui %not3A_6 : i1 to i32
    %cond3A_8 = arith.constant 0 : i32
    %cond3A_9 = arith.cmpi ne, %convert_element_type3A_7, %cond3A_8 : i32
    scf.if %cond3A_9 {
      "tpu.region"() ({
        %run_scoped3A = tpu.sem_alloc : memref<!tpu.dma_semaphore, #tpu.memory_space<semaphore_mem>>
        %dma_start3A_32 = tpu.memref_slice %arg3[%mul3A_4] : memref<204800xi32, #tpu.memory_space<hbm>> -> memref<12800xi32, #tpu.memory_space<hbm>>
        %dma_start3A_33 = tpu.memref_slice %arg3[%mul3A_4] : memref<204800xi32, #tpu.memory_space<hbm>> -> memref<12800xi32, #tpu.memory_space<hbm>>
        tpu.enqueue_dma source(%dma_start3A_33 : memref<12800xi32, #tpu.memory_space<hbm>>) target(%arg8 : memref<12800xi32, #tpu.memory_space<vmem>>) target_semaphore(%run_scoped3A : memref<!tpu.dma_semaphore, #tpu.memory_space<semaphore_mem>>)
        %dma_wait3A = tpu.memref_slice %arg3[%mul3A_4] : memref<204800xi32, #tpu.memory_space<hbm>> -> memref<12800xi32, #tpu.memory_space<hbm>>
        %dma_wait3A_34 = tpu.memref_slice %arg3[%mul3A_4] : memref<204800xi32, #tpu.memory_space<hbm>> -> memref<12800xi32, #tpu.memory_space<hbm>>
        tpu.wait_dma2 semaphore(%run_scoped3A : memref<!tpu.dma_semaphore, #tpu.memory_space<semaphore_mem>>) src(%dma_wait3A_34 : memref<12800xi32, #tpu.memory_space<hbm>>) dst(%arg8 : memref<12800xi32, #tpu.memory_space<vmem>>)
        tpu.yield
      }) : () -> ()
    } else {
    }
    "tpu.region"() ({
      %run_scoped3A = tpu.sem_alloc : memref<!tpu.dma_semaphore, #tpu.memory_space<semaphore_mem>>
      tpu.enqueue_dma source(%arg5 : memref<256xf32, #tpu.memory_space<hbm>>) target(%arg11 : memref<256xf32, #tpu.memory_space<vmem>>) target_semaphore(%run_scoped3A : memref<!tpu.dma_semaphore, #tpu.memory_space<semaphore_mem>>)
      tpu.wait_dma2 semaphore(%run_scoped3A : memref<!tpu.dma_semaphore, #tpu.memory_space<semaphore_mem>>) src(%arg5 : memref<256xf32, #tpu.memory_space<hbm>>) dst(%arg11 : memref<256xf32, #tpu.memory_space<vmem>>)
      tpu.yield
    }) : () -> ()
    %mul3A_10 = arith.constant 0 : i32
    %mul3A_11 = arith.constant 200 : i32
    %mul3A_12 = arith.muli %mul3A_10, %mul3A_11 : i32
    %add3A_13 = arith.constant 0 : i32
    %add3A_14 = arith.addi %mul3A_12, %add3A_13 : i32
    %dma_start3A = tpu.memref_slice %arg8[%add3A_14] : memref<12800xi32, #tpu.memory_space<vmem>> -> memref<104xi32, #tpu.memory_space<vmem>>
    %dma_start3A_15 = arith.constant 0 : i32
    %dma_start3A_16 = arith.constant 0 : i32
    %dma_start3A_17 = tpu.memref_slice %arg4[%dma_start3A_15, %dma_start3A_16] : memref<100000x128xi32, #tpu.memory_space<hbm>> -> memref<100000x128xi32, #tpu.memory_space<hbm>>
    tpu.enqueue_indirect_dma source(%dma_start3A_17 : memref<100000x128xi32, #tpu.memory_space<hbm>>) target(%arg9 : memref<104x128xi32, #tpu.memory_space<vmem>>) offsets(%dma_start3A : memref<104xi32, #tpu.memory_space<vmem>>) semaphore(%arg13 : memref<!tpu.dma_semaphore, #tpu.memory_space<semaphore_mem>>)
    %scan3A = arith.constant 0 : i32
    %scan3A_18 = arith.constant 5.000000e-03 : f32
    %scan3A_19 = arith.constant 0 : i32
    %scan3A_20 = arith.constant 64 : i32
    %scan3A_21 = arith.addi %scan3A_19, %scan3A_20 : i32
    %scan3A_22 = arith.constant 1 : i32
    scf.for %scan3A_32 = %scan3A_19 to %scan3A_21 step %scan3A_22  : i32 {
      %broadcast_in_dim3A = arith.constant 0.000000e+00 : f32
      %broadcast_in_dim3A_33 = vector.broadcast %broadcast_in_dim3A : f32 to vector<16xf32>
      %mul3A_34 = arith.constant 200 : i32
      %mul3A_35 = arith.muli %scan3A_32, %mul3A_34 : i32
      %add3A_36 = arith.constant 0 : i32
      %add3A_37 = arith.addi %mul3A_35, %add3A_36 : i32
      %dma_wait3A = tpu.memref_slice %arg8[%add3A_37] : memref<12800xi32, #tpu.memory_space<vmem>> -> memref<104xi32, #tpu.memory_space<vmem>>
      %dma_wait3A_38 = arith.constant 0 : i32
      %dma_wait3A_39 = arith.constant 0 : i32
      %dma_wait3A_40 = tpu.memref_slice %arg4[%dma_wait3A_38, %dma_wait3A_39] : memref<100000x128xi32, #tpu.memory_space<hbm>> -> memref<100000x128xi32, #tpu.memory_space<hbm>>
      tpu.wait_indirect_dma semaphore(%arg13 : memref<!tpu.dma_semaphore, #tpu.memory_space<semaphore_mem>>) src(%dma_wait3A_40 : memref<100000x128xi32, #tpu.memory_space<hbm>>) dst(%arg9 : memref<104x128xi32, #tpu.memory_space<vmem>>)
      %mul3A_41 = arith.constant 200 : i32
      %mul3A_42 = arith.muli %scan3A_32, %mul3A_41 : i32
      %add3A_43 = arith.constant 104 : i32
      %add3A_44 = arith.addi %mul3A_42, %add3A_43 : i32
      %dma_start3A_45 = tpu.memref_slice %arg8[%add3A_44] : memref<12800xi32, #tpu.memory_space<vmem>> -> memref<96xi32, #tpu.memory_space<vmem>>
      %dma_start3A_46 = arith.constant 0 : i32
      %dma_start3A_47 = arith.constant 0 : i32
      %dma_start3A_48 = tpu.memref_slice %arg4[%dma_start3A_46, %dma_start3A_47] : memref<100000x128xi32, #tpu.memory_space<hbm>> -> memref<100000x128xi32, #tpu.memory_space<hbm>>
      tpu.enqueue_indirect_dma source(%dma_start3A_48 : memref<100000x128xi32, #tpu.memory_space<hbm>>) target(%arg10 : memref<96x128xi32, #tpu.memory_space<vmem>>) offsets(%dma_start3A_45 : memref<96xi32, #tpu.memory_space<vmem>>) semaphore(%arg14 : memref<!tpu.dma_semaphore, #tpu.memory_space<semaphore_mem>>)
      %scan3A_49 = arith.constant 0 : i32
      %scan3A_50 = arith.constant 104 : i32
      %scan3A_51 = arith.addi %scan3A_49, %scan3A_50 : i32
      %scan3A_52 = arith.constant 1 : i32
      %scan3A_53:16 = scf.for %scan3A_202 = %scan3A_49 to %scan3A_51 step %scan3A_52 iter_args(%scan3A_203 = %broadcast_in_dim3A_33, %scan3A_204 = %broadcast_in_dim3A_33, %scan3A_205 = %broadcast_in_dim3A_33, %scan3A_206 = %broadcast_in_dim3A_33, %scan3A_207 = %broadcast_in_dim3A_33, %scan3A_208 = %broadcast_in_dim3A_33, %scan3A_209 = %broadcast_in_dim3A_33, %scan3A_210 = %broadcast_in_dim3A_33, %scan3A_211 = %broadcast_in_dim3A_33, %scan3A_212 = %broadcast_in_dim3A_33, %scan3A_213 = %broadcast_in_dim3A_33, %scan3A_214 = %broadcast_in_dim3A_33, %scan3A_215 = %broadcast_in_dim3A_33, %scan3A_216 = %broadcast_in_dim3A_33, %scan3A_217 = %broadcast_in_dim3A_33, %scan3A_218 = %broadcast_in_dim3A_33) -> (vector<16xf32>, vector<16xf32>, vector<16xf32>, vector<16xf32>, vector<16xf32>, vector<16xf32>, vector<16xf32>, vector<16xf32>, vector<16xf32>, vector<16xf32>, vector<16xf32>, vector<16xf32>, vector<16xf32>, vector<16xf32>, vector<16xf32>, vector<16xf32>)  : i32 {
        %get3A_219 = arith.index_cast %scan3A_202 : i32 to index
        %get3A_220 = arith.constant 0 : index
        %get3A_221 = tpu.vector_load %arg9[%get3A_219, %get3A_220] {strides = array<i32>} : memref<104x128xi32, #tpu.memory_space<vmem>>, vector<16xi32>,
        %shift_left3A = arith.constant 16 : i32
        %shift_left3A_222 = vector.broadcast %shift_left3A : i32 to vector<16xi32>
        %shift_left3A_223 = arith.shli %get3A_221, %shift_left3A_222 : vector<16xi32>
        %bitcast3A = vector.bitcast %shift_left3A_223 : vector<16xi32> to vector<16xf32>
        %and3A = arith.constant -65536 : i32
        %and3A_224 = vector.broadcast %and3A : i32 to vector<16xi32>
        %and3A_225 = arith.andi %get3A_221, %and3A_224 : vector<16xi32>
        %bitcast3A_226 = vector.bitcast %and3A_225 : vector<16xi32> to vector<16xf32>
        %add3A_227 = arith.addf %scan3A_203, %bitcast3A : vector<16xf32>
        %add3A_228 = arith.addf %scan3A_204, %bitcast3A_226 : vector<16xf32>
        %get3A_229 = arith.index_cast %scan3A_202 : i32 to index
        %get3A_230 = arith.constant 16 : index
        %get3A_231 = tpu.vector_load %arg9[%get3A_229, %get3A_230] {strides = array<i32>} : memref<104x128xi32, #tpu.memory_space<vmem>>, vector<16xi32>,
        %shift_left3A_232 = arith.constant 16 : i32
        %shift_left3A_233 = vector.broadcast %shift_left3A_232 : i32 to vector<16xi32>
        %shift_left3A_234 = arith.shli %get3A_231, %shift_left3A_233 : vector<16xi32>
        %bitcast3A_235 = vector.bitcast %shift_left3A_234 : vector<16xi32> to vector<16xf32>
        %and3A_236 = arith.constant -65536 : i32
        %and3A_237 = vector.broadcast %and3A_236 : i32 to vector<16xi32>
        %and3A_238 = arith.andi %get3A_231, %and3A_237 : vector<16xi32>
        %bitcast3A_239 = vector.bitcast %and3A_238 : vector<16xi32> to vector<16xf32>
        %add3A_240 = arith.addf %scan3A_205, %bitcast3A_235 : vector<16xf32>
        %add3A_241 = arith.addf %scan3A_206, %bitcast3A_239 : vector<16xf32>
        %get3A_242 = arith.index_cast %scan3A_202 : i32 to index
        %get3A_243 = arith.constant 32 : index
        %get3A_244 = tpu.vector_load %arg9[%get3A_242, %get3A_243] {strides = array<i32>} : memref<104x128xi32, #tpu.memory_space<vmem>>, vector<16xi32>,
        %shift_left3A_245 = arith.constant 16 : i32
        %shift_left3A_246 = vector.broadcast %shift_left3A_245 : i32 to vector<16xi32>
        %shift_left3A_247 = arith.shli %get3A_244, %shift_left3A_246 : vector<16xi32>
        %bitcast3A_248 = vector.bitcast %shift_left3A_247 : vector<16xi32> to vector<16xf32>
        %and3A_249 = arith.constant -65536 : i32
        %and3A_250 = vector.broadcast %and3A_249 : i32 to vector<16xi32>
        %and3A_251 = arith.andi %get3A_244, %and3A_250 : vector<16xi32>
        %bitcast3A_252 = vector.bitcast %and3A_251 : vector<16xi32> to vector<16xf32>
        %add3A_253 = arith.addf %scan3A_207, %bitcast3A_248 : vector<16xf32>
        %add3A_254 = arith.addf %scan3A_208, %bitcast3A_252 : vector<16xf32>
        %get3A_255 = arith.index_cast %scan3A_202 : i32 to index
        %get3A_256 = arith.constant 48 : index
        %get3A_257 = tpu.vector_load %arg9[%get3A_255, %get3A_256] {strides = array<i32>} : memref<104x128xi32, #tpu.memory_space<vmem>>, vector<16xi32>,
        %shift_left3A_258 = arith.constant 16 : i32
        %shift_left3A_259 = vector.broadcast %shift_left3A_258 : i32 to vector<16xi32>
        %shift_left3A_260 = arith.shli %get3A_257, %shift_left3A_259 : vector<16xi32>
        %bitcast3A_261 = vector.bitcast %shift_left3A_260 : vector<16xi32> to vector<16xf32>
        %and3A_262 = arith.constant -65536 : i32
        %and3A_263 = vector.broadcast %and3A_262 : i32 to vector<16xi32>
        %and3A_264 = arith.andi %get3A_257, %and3A_263 : vector<16xi32>
        %bitcast3A_265 = vector.bitcast %and3A_264 : vector<16xi32> to vector<16xf32>
        %add3A_266 = arith.addf %scan3A_209, %bitcast3A_261 : vector<16xf32>
        %add3A_267 = arith.addf %scan3A_210, %bitcast3A_265 : vector<16xf32>
        %get3A_268 = arith.index_cast %scan3A_202 : i32 to index
        %get3A_269 = arith.constant 64 : index
        %get3A_270 = tpu.vector_load %arg9[%get3A_268, %get3A_269] {strides = array<i32>} : memref<104x128xi32, #tpu.memory_space<vmem>>, vector<16xi32>,
        %shift_left3A_271 = arith.constant 16 : i32
        %shift_left3A_272 = vector.broadcast %shift_left3A_271 : i32 to vector<16xi32>
        %shift_left3A_273 = arith.shli %get3A_270, %shift_left3A_272 : vector<16xi32>
        %bitcast3A_274 = vector.bitcast %shift_left3A_273 : vector<16xi32> to vector<16xf32>
        %and3A_275 = arith.constant -65536 : i32
        %and3A_276 = vector.broadcast %and3A_275 : i32 to vector<16xi32>
        %and3A_277 = arith.andi %get3A_270, %and3A_276 : vector<16xi32>
        %bitcast3A_278 = vector.bitcast %and3A_277 : vector<16xi32> to vector<16xf32>
        %add3A_279 = arith.addf %scan3A_211, %bitcast3A_274 : vector<16xf32>
        %add3A_280 = arith.addf %scan3A_212, %bitcast3A_278 : vector<16xf32>
        %get3A_281 = arith.index_cast %scan3A_202 : i32 to index
        %get3A_282 = arith.constant 80 : index
        %get3A_283 = tpu.vector_load %arg9[%get3A_281, %get3A_282] {strides = array<i32>} : memref<104x128xi32, #tpu.memory_space<vmem>>, vector<16xi32>,
        %shift_left3A_284 = arith.constant 16 : i32
        %shift_left3A_285 = vector.broadcast %shift_left3A_284 : i32 to vector<16xi32>
        %shift_left3A_286 = arith.shli %get3A_283, %shift_left3A_285 : vector<16xi32>
        %bitcast3A_287 = vector.bitcast %shift_left3A_286 : vector<16xi32> to vector<16xf32>
        %and3A_288 = arith.constant -65536 : i32
        %and3A_289 = vector.broadcast %and3A_288 : i32 to vector<16xi32>
        %and3A_290 = arith.andi %get3A_283, %and3A_289 : vector<16xi32>
        %bitcast3A_291 = vector.bitcast %and3A_290 : vector<16xi32> to vector<16xf32>
        %add3A_292 = arith.addf %scan3A_213, %bitcast3A_287 : vector<16xf32>
        %add3A_293 = arith.addf %scan3A_214, %bitcast3A_291 : vector<16xf32>
        %get3A_294 = arith.index_cast %scan3A_202 : i32 to index
        %get3A_295 = arith.constant 96 : index
        %get3A_296 = tpu.vector_load %arg9[%get3A_294, %get3A_295] {strides = array<i32>} : memref<104x128xi32, #tpu.memory_space<vmem>>, vector<16xi32>,
        %shift_left3A_297 = arith.constant 16 : i32
        %shift_left3A_298 = vector.broadcast %shift_left3A_297 : i32 to vector<16xi32>
        %shift_left3A_299 = arith.shli %get3A_296, %shift_left3A_298 : vector<16xi32>
        %bitcast3A_300 = vector.bitcast %shift_left3A_299 : vector<16xi32> to vector<16xf32>
        %and3A_301 = arith.constant -65536 : i32
        %and3A_302 = vector.broadcast %and3A_301 : i32 to vector<16xi32>
        %and3A_303 = arith.andi %get3A_296, %and3A_302 : vector<16xi32>
        %bitcast3A_304 = vector.bitcast %and3A_303 : vector<16xi32> to vector<16xf32>
        %add3A_305 = arith.addf %scan3A_215, %bitcast3A_300 : vector<16xf32>
        %add3A_306 = arith.addf %scan3A_216, %bitcast3A_304 : vector<16xf32>
        %get3A_307 = arith.index_cast %scan3A_202 : i32 to index
        %get3A_308 = arith.constant 112 : index
        %get3A_309 = tpu.vector_load %arg9[%get3A_307, %get3A_308] {strides = array<i32>} : memref<104x128xi32, #tpu.memory_space<vmem>>, vector<16xi32>,
        %shift_left3A_310 = arith.constant 16 : i32
        %shift_left3A_311 = vector.broadcast %shift_left3A_310 : i32 to vector<16xi32>
        %shift_left3A_312 = arith.shli %get3A_309, %shift_left3A_311 : vector<16xi32>
        %bitcast3A_313 = vector.bitcast %shift_left3A_312 : vector<16xi32> to vector<16xf32>
        %and3A_314 = arith.constant -65536 : i32
        %and3A_315 = vector.broadcast %and3A_314 : i32 to vector<16xi32>
        %and3A_316 = arith.andi %get3A_309, %and3A_315 : vector<16xi32>
        %bitcast3A_317 = vector.bitcast %and3A_316 : vector<16xi32> to vector<16xf32>
        %add3A_318 = arith.addf %scan3A_217, %bitcast3A_313 : vector<16xf32>
        %add3A_319 = arith.addf %scan3A_218, %bitcast3A_317 : vector<16xf32>
        scf.yield %add3A_227, %add3A_228, %add3A_240, %add3A_241, %add3A_253, %add3A_254, %add3A_266, %add3A_267, %add3A_279, %add3A_280, %add3A_292, %add3A_293, %add3A_305, %add3A_306, %add3A_318, %add3A_319 : vector<16xf32>, vector<16xf32>, vector<16xf32>, vector<16xf32>, vector<16xf32>, vector<16xf32>, vector<16xf32>, vector<16xf32>, vector<16xf32>, vector<16xf32>, vector<16xf32>, vector<16xf32>, vector<16xf32>, vector<16xf32>, vector<16xf32>, vector<16xf32>
      }
      %scan3A_54 = arith.constant 104 : i32
      %mul3A_55 = arith.constant 200 : i32
      %mul3A_56 = arith.muli %scan3A_32, %mul3A_55 : i32
      %add3A_57 = arith.constant 104 : i32
      %add3A_58 = arith.addi %mul3A_56, %add3A_57 : i32
      %dma_wait3A_59 = tpu.memref_slice %arg8[%add3A_58] : memref<12800xi32, #tpu.memory_space<vmem>> -> memref<96xi32, #tpu.memory_space<vmem>>
      %dma_wait3A_60 = arith.constant 0 : i32
      %dma_wait3A_61 = arith.constant 0 : i32
      %dma_wait3A_62 = tpu.memref_slice %arg4[%dma_wait3A_60, %dma_wait3A_61] : memref<100000x128xi32, #tpu.memory_space<hbm>> -> memref<100000x128xi32, #tpu.memory_space<hbm>>
      tpu.wait_indirect_dma semaphore(%arg14 : memref<!tpu.dma_semaphore, #tpu.memory_space<semaphore_mem>>) src(%dma_wait3A_62 : memref<100000x128xi32, #tpu.memory_space<hbm>>) dst(%arg10 : memref<96x128xi32, #tpu.memory_space<vmem>>)
      %add3A_63 = arith.constant 1 : i32
      %add3A_64 = arith.addi %scan3A_32, %add3A_63 : i32
      %lt3A_65 = arith.constant 64 : i32
      %lt3A_66 = arith.cmpi slt, %add3A_64, %lt3A_65 : i32
      %convert_element_type3A_67 = arith.extui %lt3A_66 : i1 to i32
      %cond3A_68 = arith.constant 0 : i32
      %cond3A_69 = arith.cmpi ne, %convert_element_type3A_67, %cond3A_68 : i32
      scf.if %cond3A_69 {
        %add3A_202 = arith.constant 1 : i32
        %add3A_203 = arith.addi %scan3A_32, %add3A_202 : i32
        %mul3A_204 = arith.constant 200 : i32
        %mul3A_205 = arith.muli %add3A_203, %mul3A_204 : i32
        %add3A_206 = arith.constant 0 : i32
        %add3A_207 = arith.addi %mul3A_205, %add3A_206 : i32
        %dma_start3A_208 = tpu.memref_slice %arg8[%add3A_207] : memref<12800xi32, #tpu.memory_space<vmem>> -> memref<104xi32, #tpu.memory_space<vmem>>
        %dma_start3A_209 = arith.constant 0 : i32
        %dma_start3A_210 = arith.constant 0 : i32
        %dma_start3A_211 = tpu.memref_slice %arg4[%dma_start3A_209, %dma_start3A_210] : memref<100000x128xi32, #tpu.memory_space<hbm>> -> memref<100000x128xi32, #tpu.memory_space<hbm>>
        tpu.enqueue_indirect_dma source(%dma_start3A_211 : memref<100000x128xi32, #tpu.memory_space<hbm>>) target(%arg9 : memref<104x128xi32, #tpu.memory_space<vmem>>) offsets(%dma_start3A_208 : memref<104xi32, #tpu.memory_space<vmem>>) semaphore(%arg13 : memref<!tpu.dma_semaphore, #tpu.memory_space<semaphore_mem>>)
      } else {
      }
      %scan3A_70 = arith.constant 0 : i32
      %scan3A_71 = arith.constant 96 : i32
      %scan3A_72 = arith.addi %scan3A_70, %scan3A_71 : i32
      %scan3A_73 = arith.constant 1 : i32
      %scan3A_74:16 = scf.for %scan3A_202 = %scan3A_70 to %scan3A_72 step %scan3A_73 iter_args(%scan3A_203 = %scan3A_53#0, %scan3A_204 = %scan3A_53#1, %scan3A_205 = %scan3A_53#2, %scan3A_206 = %scan3A_53#3, %scan3A_207 = %scan3A_53#4, %scan3A_208 = %scan3A_53#5, %scan3A_209 = %scan3A_53#6, %scan3A_210 = %scan3A_53#7, %scan3A_211 = %scan3A_53#8, %scan3A_212 = %scan3A_53#9, %scan3A_213 = %scan3A_53#10, %scan3A_214 = %scan3A_53#11, %scan3A_215 = %scan3A_53#12, %scan3A_216 = %scan3A_53#13, %scan3A_217 = %scan3A_53#14, %scan3A_218 = %scan3A_53#15) -> (vector<16xf32>, vector<16xf32>, vector<16xf32>, vector<16xf32>, vector<16xf32>, vector<16xf32>, vector<16xf32>, vector<16xf32>, vector<16xf32>, vector<16xf32>, vector<16xf32>, vector<16xf32>, vector<16xf32>, vector<16xf32>, vector<16xf32>, vector<16xf32>)  : i32 {
        %get3A_219 = arith.index_cast %scan3A_202 : i32 to index
        %get3A_220 = arith.constant 0 : index
        %get3A_221 = tpu.vector_load %arg10[%get3A_219, %get3A_220] {strides = array<i32>} : memref<96x128xi32, #tpu.memory_space<vmem>>, vector<16xi32>,
        %shift_left3A = arith.constant 16 : i32
        %shift_left3A_222 = vector.broadcast %shift_left3A : i32 to vector<16xi32>
        %shift_left3A_223 = arith.shli %get3A_221, %shift_left3A_222 : vector<16xi32>
        %bitcast3A = vector.bitcast %shift_left3A_223 : vector<16xi32> to vector<16xf32>
        %and3A = arith.constant -65536 : i32
        %and3A_224 = vector.broadcast %and3A : i32 to vector<16xi32>
        %and3A_225 = arith.andi %get3A_221, %and3A_224 : vector<16xi32>
        %bitcast3A_226 = vector.bitcast %and3A_225 : vector<16xi32> to vector<16xf32>
        %add3A_227 = arith.addf %scan3A_203, %bitcast3A : vector<16xf32>
        %add3A_228 = arith.addf %scan3A_204, %bitcast3A_226 : vector<16xf32>
        %get3A_229 = arith.index_cast %scan3A_202 : i32 to index
        %get3A_230 = arith.constant 16 : index
        %get3A_231 = tpu.vector_load %arg10[%get3A_229, %get3A_230] {strides = array<i32>} : memref<96x128xi32, #tpu.memory_space<vmem>>, vector<16xi32>,
        %shift_left3A_232 = arith.constant 16 : i32
        %shift_left3A_233 = vector.broadcast %shift_left3A_232 : i32 to vector<16xi32>
        %shift_left3A_234 = arith.shli %get3A_231, %shift_left3A_233 : vector<16xi32>
        %bitcast3A_235 = vector.bitcast %shift_left3A_234 : vector<16xi32> to vector<16xf32>
        %and3A_236 = arith.constant -65536 : i32
        %and3A_237 = vector.broadcast %and3A_236 : i32 to vector<16xi32>
        %and3A_238 = arith.andi %get3A_231, %and3A_237 : vector<16xi32>
        %bitcast3A_239 = vector.bitcast %and3A_238 : vector<16xi32> to vector<16xf32>
        %add3A_240 = arith.addf %scan3A_205, %bitcast3A_235 : vector<16xf32>
        %add3A_241 = arith.addf %scan3A_206, %bitcast3A_239 : vector<16xf32>
        %get3A_242 = arith.index_cast %scan3A_202 : i32 to index
        %get3A_243 = arith.constant 32 : index
        %get3A_244 = tpu.vector_load %arg10[%get3A_242, %get3A_243] {strides = array<i32>} : memref<96x128xi32, #tpu.memory_space<vmem>>, vector<16xi32>,
        %shift_left3A_245 = arith.constant 16 : i32
        %shift_left3A_246 = vector.broadcast %shift_left3A_245 : i32 to vector<16xi32>
        %shift_left3A_247 = arith.shli %get3A_244, %shift_left3A_246 : vector<16xi32>
        %bitcast3A_248 = vector.bitcast %shift_left3A_247 : vector<16xi32> to vector<16xf32>
        %and3A_249 = arith.constant -65536 : i32
        %and3A_250 = vector.broadcast %and3A_249 : i32 to vector<16xi32>
        %and3A_251 = arith.andi %get3A_244, %and3A_250 : vector<16xi32>
        %bitcast3A_252 = vector.bitcast %and3A_251 : vector<16xi32> to vector<16xf32>
        %add3A_253 = arith.addf %scan3A_207, %bitcast3A_248 : vector<16xf32>
        %add3A_254 = arith.addf %scan3A_208, %bitcast3A_252 : vector<16xf32>
        %get3A_255 = arith.index_cast %scan3A_202 : i32 to index
        %get3A_256 = arith.constant 48 : index
        %get3A_257 = tpu.vector_load %arg10[%get3A_255, %get3A_256] {strides = array<i32>} : memref<96x128xi32, #tpu.memory_space<vmem>>, vector<16xi32>,
        %shift_left3A_258 = arith.constant 16 : i32
        %shift_left3A_259 = vector.broadcast %shift_left3A_258 : i32 to vector<16xi32>
        %shift_left3A_260 = arith.shli %get3A_257, %shift_left3A_259 : vector<16xi32>
        %bitcast3A_261 = vector.bitcast %shift_left3A_260 : vector<16xi32> to vector<16xf32>
        %and3A_262 = arith.constant -65536 : i32
        %and3A_263 = vector.broadcast %and3A_262 : i32 to vector<16xi32>
        %and3A_264 = arith.andi %get3A_257, %and3A_263 : vector<16xi32>
        %bitcast3A_265 = vector.bitcast %and3A_264 : vector<16xi32> to vector<16xf32>
        %add3A_266 = arith.addf %scan3A_209, %bitcast3A_261 : vector<16xf32>
        %add3A_267 = arith.addf %scan3A_210, %bitcast3A_265 : vector<16xf32>
        %get3A_268 = arith.index_cast %scan3A_202 : i32 to index
        %get3A_269 = arith.constant 64 : index
        %get3A_270 = tpu.vector_load %arg10[%get3A_268, %get3A_269] {strides = array<i32>} : memref<96x128xi32, #tpu.memory_space<vmem>>, vector<16xi32>,
        %shift_left3A_271 = arith.constant 16 : i32
        %shift_left3A_272 = vector.broadcast %shift_left3A_271 : i32 to vector<16xi32>
        %shift_left3A_273 = arith.shli %get3A_270, %shift_left3A_272 : vector<16xi32>
        %bitcast3A_274 = vector.bitcast %shift_left3A_273 : vector<16xi32> to vector<16xf32>
        %and3A_275 = arith.constant -65536 : i32
        %and3A_276 = vector.broadcast %and3A_275 : i32 to vector<16xi32>
        %and3A_277 = arith.andi %get3A_270, %and3A_276 : vector<16xi32>
        %bitcast3A_278 = vector.bitcast %and3A_277 : vector<16xi32> to vector<16xf32>
        %add3A_279 = arith.addf %scan3A_211, %bitcast3A_274 : vector<16xf32>
        %add3A_280 = arith.addf %scan3A_212, %bitcast3A_278 : vector<16xf32>
        %get3A_281 = arith.index_cast %scan3A_202 : i32 to index
        %get3A_282 = arith.constant 80 : index
        %get3A_283 = tpu.vector_load %arg10[%get3A_281, %get3A_282] {strides = array<i32>} : memref<96x128xi32, #tpu.memory_space<vmem>>, vector<16xi32>,
        %shift_left3A_284 = arith.constant 16 : i32
        %shift_left3A_285 = vector.broadcast %shift_left3A_284 : i32 to vector<16xi32>
        %shift_left3A_286 = arith.shli %get3A_283, %shift_left3A_285 : vector<16xi32>
        %bitcast3A_287 = vector.bitcast %shift_left3A_286 : vector<16xi32> to vector<16xf32>
        %and3A_288 = arith.constant -65536 : i32
        %and3A_289 = vector.broadcast %and3A_288 : i32 to vector<16xi32>
        %and3A_290 = arith.andi %get3A_283, %and3A_289 : vector<16xi32>
        %bitcast3A_291 = vector.bitcast %and3A_290 : vector<16xi32> to vector<16xf32>
        %add3A_292 = arith.addf %scan3A_213, %bitcast3A_287 : vector<16xf32>
        %add3A_293 = arith.addf %scan3A_214, %bitcast3A_291 : vector<16xf32>
        %get3A_294 = arith.index_cast %scan3A_202 : i32 to index
        %get3A_295 = arith.constant 96 : index
        %get3A_296 = tpu.vector_load %arg10[%get3A_294, %get3A_295] {strides = array<i32>} : memref<96x128xi32, #tpu.memory_space<vmem>>, vector<16xi32>,
        %shift_left3A_297 = arith.constant 16 : i32
        %shift_left3A_298 = vector.broadcast %shift_left3A_297 : i32 to vector<16xi32>
        %shift_left3A_299 = arith.shli %get3A_296, %shift_left3A_298 : vector<16xi32>
        %bitcast3A_300 = vector.bitcast %shift_left3A_299 : vector<16xi32> to vector<16xf32>
        %and3A_301 = arith.constant -65536 : i32
        %and3A_302 = vector.broadcast %and3A_301 : i32 to vector<16xi32>
        %and3A_303 = arith.andi %get3A_296, %and3A_302 : vector<16xi32>
        %bitcast3A_304 = vector.bitcast %and3A_303 : vector<16xi32> to vector<16xf32>
        %add3A_305 = arith.addf %scan3A_215, %bitcast3A_300 : vector<16xf32>
        %add3A_306 = arith.addf %scan3A_216, %bitcast3A_304 : vector<16xf32>
        %get3A_307 = arith.index_cast %scan3A_202 : i32 to index
        %get3A_308 = arith.constant 112 : index
        %get3A_309 = tpu.vector_load %arg10[%get3A_307, %get3A_308] {strides = array<i32>} : memref<96x128xi32, #tpu.memory_space<vmem>>, vector<16xi32>,
        %shift_left3A_310 = arith.constant 16 : i32
        %shift_left3A_311 = vector.broadcast %shift_left3A_310 : i32 to vector<16xi32>
        %shift_left3A_312 = arith.shli %get3A_309, %shift_left3A_311 : vector<16xi32>
        %bitcast3A_313 = vector.bitcast %shift_left3A_312 : vector<16xi32> to vector<16xf32>
        %and3A_314 = arith.constant -65536 : i32
        %and3A_315 = vector.broadcast %and3A_314 : i32 to vector<16xi32>
        %and3A_316 = arith.andi %get3A_309, %and3A_315 : vector<16xi32>
        %bitcast3A_317 = vector.bitcast %and3A_316 : vector<16xi32> to vector<16xf32>
        %add3A_318 = arith.addf %scan3A_217, %bitcast3A_313 : vector<16xf32>
        %add3A_319 = arith.addf %scan3A_218, %bitcast3A_317 : vector<16xf32>
        scf.yield %add3A_227, %add3A_228, %add3A_240, %add3A_241, %add3A_253, %add3A_254, %add3A_266, %add3A_267, %add3A_279, %add3A_280, %add3A_292, %add3A_293, %add3A_305, %add3A_306, %add3A_318, %add3A_319 : vector<16xf32>, vector<16xf32>, vector<16xf32>, vector<16xf32>, vector<16xf32>, vector<16xf32>, vector<16xf32>, vector<16xf32>, vector<16xf32>, vector<16xf32>, vector<16xf32>, vector<16xf32>, vector<16xf32>, vector<16xf32>, vector<16xf32>, vector<16xf32>
      }
      %scan3A_75 = arith.constant 96 : i32
      %mul3A_76 = vector.broadcast %scan3A_18 : f32 to vector<16xf32>
      %mul3A_77 = arith.mulf %scan3A_74#0, %mul3A_76 : vector<16xf32>
      %get3A = arith.constant 0 : index
      %get3A_78 = tpu.vector_load %arg11[%get3A] {strides = array<i32>} : memref<256xf32, #tpu.memory_space<vmem>>, vector<16xf32>,
      %add3A_79 = arith.addf %mul3A_77, %get3A_78 : vector<16xf32>
      %swap3A = arith.index_cast %scan3A_32 : i32 to index
      %swap3A_80 = arith.constant 0 : index
      %swap3A_81 = tpu.vector_load %arg12[%swap3A, %swap3A_80] {strides = array<i32>} : memref<64x256xf32, #tpu.memory_space<vmem>>, vector<16xf32>,
      tpu.vector_store %arg12[%swap3A, %swap3A_80], %add3A_79 {strides = array<i32>} : memref<64x256xf32, #tpu.memory_space<vmem>>, vector<16xf32>,
      %mul3A_82 = vector.broadcast %scan3A_18 : f32 to vector<16xf32>
      %mul3A_83 = arith.mulf %scan3A_74#1, %mul3A_82 : vector<16xf32>
      %get3A_84 = arith.constant 16 : index
      %get3A_85 = tpu.vector_load %arg11[%get3A_84] {strides = array<i32>} : memref<256xf32, #tpu.memory_space<vmem>>, vector<16xf32>,
      %add3A_86 = arith.addf %mul3A_83, %get3A_85 : vector<16xf32>
      %swap3A_87 = arith.index_cast %scan3A_32 : i32 to index
      %swap3A_88 = arith.constant 16 : index
      %swap3A_89 = tpu.vector_load %arg12[%swap3A_87, %swap3A_88] {strides = array<i32>} : memref<64x256xf32, #tpu.memory_space<vmem>>, vector<16xf32>,
      tpu.vector_store %arg12[%swap3A_87, %swap3A_88], %add3A_86 {strides = array<i32>} : memref<64x256xf32, #tpu.memory_space<vmem>>, vector<16xf32>,
      %mul3A_90 = vector.broadcast %scan3A_18 : f32 to vector<16xf32>
      %mul3A_91 = arith.mulf %scan3A_74#2, %mul3A_90 : vector<16xf32>
      %get3A_92 = arith.constant 32 : index
      %get3A_93 = tpu.vector_load %arg11[%get3A_92] {strides = array<i32>} : memref<256xf32, #tpu.memory_space<vmem>>, vector<16xf32>,
      %add3A_94 = arith.addf %mul3A_91, %get3A_93 : vector<16xf32>
      %swap3A_95 = arith.index_cast %scan3A_32 : i32 to index
      %swap3A_96 = arith.constant 32 : index
      %swap3A_97 = tpu.vector_load %arg12[%swap3A_95, %swap3A_96] {strides = array<i32>} : memref<64x256xf32, #tpu.memory_space<vmem>>, vector<16xf32>,
      tpu.vector_store %arg12[%swap3A_95, %swap3A_96], %add3A_94 {strides = array<i32>} : memref<64x256xf32, #tpu.memory_space<vmem>>, vector<16xf32>,
      %mul3A_98 = vector.broadcast %scan3A_18 : f32 to vector<16xf32>
      %mul3A_99 = arith.mulf %scan3A_74#3, %mul3A_98 : vector<16xf32>
      %get3A_100 = arith.constant 48 : index
      %get3A_101 = tpu.vector_load %arg11[%get3A_100] {strides = array<i32>} : memref<256xf32, #tpu.memory_space<vmem>>, vector<16xf32>,
      %add3A_102 = arith.addf %mul3A_99, %get3A_101 : vector<16xf32>
      %swap3A_103 = arith.index_cast %scan3A_32 : i32 to index
      %swap3A_104 = arith.constant 48 : index
      %swap3A_105 = tpu.vector_load %arg12[%swap3A_103, %swap3A_104] {strides = array<i32>} : memref<64x256xf32, #tpu.memory_space<vmem>>, vector<16xf32>,
      tpu.vector_store %arg12[%swap3A_103, %swap3A_104], %add3A_102 {strides = array<i32>} : memref<64x256xf32, #tpu.memory_space<vmem>>, vector<16xf32>,
      %mul3A_106 = vector.broadcast %scan3A_18 : f32 to vector<16xf32>
      %mul3A_107 = arith.mulf %scan3A_74#4, %mul3A_106 : vector<16xf32>
      %get3A_108 = arith.constant 64 : index
      %get3A_109 = tpu.vector_load %arg11[%get3A_108] {strides = array<i32>} : memref<256xf32, #tpu.memory_space<vmem>>, vector<16xf32>,
      %add3A_110 = arith.addf %mul3A_107, %get3A_109 : vector<16xf32>
      %swap3A_111 = arith.index_cast %scan3A_32 : i32 to index
      %swap3A_112 = arith.constant 64 : index
      %swap3A_113 = tpu.vector_load %arg12[%swap3A_111, %swap3A_112] {strides = array<i32>} : memref<64x256xf32, #tpu.memory_space<vmem>>, vector<16xf32>,
      tpu.vector_store %arg12[%swap3A_111, %swap3A_112], %add3A_110 {strides = array<i32>} : memref<64x256xf32, #tpu.memory_space<vmem>>, vector<16xf32>,
      %mul3A_114 = vector.broadcast %scan3A_18 : f32 to vector<16xf32>
      %mul3A_115 = arith.mulf %scan3A_74#5, %mul3A_114 : vector<16xf32>
      %get3A_116 = arith.constant 80 : index
      %get3A_117 = tpu.vector_load %arg11[%get3A_116] {strides = array<i32>} : memref<256xf32, #tpu.memory_space<vmem>>, vector<16xf32>,
      %add3A_118 = arith.addf %mul3A_115, %get3A_117 : vector<16xf32>
      %swap3A_119 = arith.index_cast %scan3A_32 : i32 to index
      %swap3A_120 = arith.constant 80 : index
      %swap3A_121 = tpu.vector_load %arg12[%swap3A_119, %swap3A_120] {strides = array<i32>} : memref<64x256xf32, #tpu.memory_space<vmem>>, vector<16xf32>,
      tpu.vector_store %arg12[%swap3A_119, %swap3A_120], %add3A_118 {strides = array<i32>} : memref<64x256xf32, #tpu.memory_space<vmem>>, vector<16xf32>,
      %mul3A_122 = vector.broadcast %scan3A_18 : f32 to vector<16xf32>
      %mul3A_123 = arith.mulf %scan3A_74#6, %mul3A_122 : vector<16xf32>
      %get3A_124 = arith.constant 96 : index
      %get3A_125 = tpu.vector_load %arg11[%get3A_124] {strides = array<i32>} : memref<256xf32, #tpu.memory_space<vmem>>, vector<16xf32>,
      %add3A_126 = arith.addf %mul3A_123, %get3A_125 : vector<16xf32>
      %swap3A_127 = arith.index_cast %scan3A_32 : i32 to index
      %swap3A_128 = arith.constant 96 : index
      %swap3A_129 = tpu.vector_load %arg12[%swap3A_127, %swap3A_128] {strides = array<i32>} : memref<64x256xf32, #tpu.memory_space<vmem>>, vector<16xf32>,
      tpu.vector_store %arg12[%swap3A_127, %swap3A_128], %add3A_126 {strides = array<i32>} : memref<64x256xf32, #tpu.memory_space<vmem>>, vector<16xf32>,
      %mul3A_130 = vector.broadcast %scan3A_18 : f32 to vector<16xf32>
      %mul3A_131 = arith.mulf %scan3A_74#7, %mul3A_130 : vector<16xf32>
      %get3A_132 = arith.constant 112 : index
      %get3A_133 = tpu.vector_load %arg11[%get3A_132] {strides = array<i32>} : memref<256xf32, #tpu.memory_space<vmem>>, vector<16xf32>,
      %add3A_134 = arith.addf %mul3A_131, %get3A_133 : vector<16xf32>
      %swap3A_135 = arith.index_cast %scan3A_32 : i32 to index
      %swap3A_136 = arith.constant 112 : index
      %swap3A_137 = tpu.vector_load %arg12[%swap3A_135, %swap3A_136] {strides = array<i32>} : memref<64x256xf32, #tpu.memory_space<vmem>>, vector<16xf32>,
      tpu.vector_store %arg12[%swap3A_135, %swap3A_136], %add3A_134 {strides = array<i32>} : memref<64x256xf32, #tpu.memory_space<vmem>>, vector<16xf32>,
      %mul3A_138 = vector.broadcast %scan3A_18 : f32 to vector<16xf32>
      %mul3A_139 = arith.mulf %scan3A_74#8, %mul3A_138 : vector<16xf32>
      %get3A_140 = arith.constant 128 : index
      %get3A_141 = tpu.vector_load %arg11[%get3A_140] {strides = array<i32>} : memref<256xf32, #tpu.memory_space<vmem>>, vector<16xf32>,
      %add3A_142 = arith.addf %mul3A_139, %get3A_141 : vector<16xf32>
      %swap3A_143 = arith.index_cast %scan3A_32 : i32 to index
      %swap3A_144 = arith.constant 128 : index
      %swap3A_145 = tpu.vector_load %arg12[%swap3A_143, %swap3A_144] {strides = array<i32>} : memref<64x256xf32, #tpu.memory_space<vmem>>, vector<16xf32>,
      tpu.vector_store %arg12[%swap3A_143, %swap3A_144], %add3A_142 {strides = array<i32>} : memref<64x256xf32, #tpu.memory_space<vmem>>, vector<16xf32>,
      %mul3A_146 = vector.broadcast %scan3A_18 : f32 to vector<16xf32>
      %mul3A_147 = arith.mulf %scan3A_74#9, %mul3A_146 : vector<16xf32>
      %get3A_148 = arith.constant 144 : index
      %get3A_149 = tpu.vector_load %arg11[%get3A_148] {strides = array<i32>} : memref<256xf32, #tpu.memory_space<vmem>>, vector<16xf32>,
      %add3A_150 = arith.addf %mul3A_147, %get3A_149 : vector<16xf32>
      %swap3A_151 = arith.index_cast %scan3A_32 : i32 to index
      %swap3A_152 = arith.constant 144 : index
      %swap3A_153 = tpu.vector_load %arg12[%swap3A_151, %swap3A_152] {strides = array<i32>} : memref<64x256xf32, #tpu.memory_space<vmem>>, vector<16xf32>,
      tpu.vector_store %arg12[%swap3A_151, %swap3A_152], %add3A_150 {strides = array<i32>} : memref<64x256xf32, #tpu.memory_space<vmem>>, vector<16xf32>,
      %mul3A_154 = vector.broadcast %scan3A_18 : f32 to vector<16xf32>
      %mul3A_155 = arith.mulf %scan3A_74#10, %mul3A_154 : vector<16xf32>
      %get3A_156 = arith.constant 160 : index
      %get3A_157 = tpu.vector_load %arg11[%get3A_156] {strides = array<i32>} : memref<256xf32, #tpu.memory_space<vmem>>, vector<16xf32>,
      %add3A_158 = arith.addf %mul3A_155, %get3A_157 : vector<16xf32>
      %swap3A_159 = arith.index_cast %scan3A_32 : i32 to index
      %swap3A_160 = arith.constant 160 : index
      %swap3A_161 = tpu.vector_load %arg12[%swap3A_159, %swap3A_160] {strides = array<i32>} : memref<64x256xf32, #tpu.memory_space<vmem>>, vector<16xf32>,
      tpu.vector_store %arg12[%swap3A_159, %swap3A_160], %add3A_158 {strides = array<i32>} : memref<64x256xf32, #tpu.memory_space<vmem>>, vector<16xf32>,
      %mul3A_162 = vector.broadcast %scan3A_18 : f32 to vector<16xf32>
      %mul3A_163 = arith.mulf %scan3A_74#11, %mul3A_162 : vector<16xf32>
      %get3A_164 = arith.constant 176 : index
      %get3A_165 = tpu.vector_load %arg11[%get3A_164] {strides = array<i32>} : memref<256xf32, #tpu.memory_space<vmem>>, vector<16xf32>,
      %add3A_166 = arith.addf %mul3A_163, %get3A_165 : vector<16xf32>
      %swap3A_167 = arith.index_cast %scan3A_32 : i32 to index
      %swap3A_168 = arith.constant 176 : index
      %swap3A_169 = tpu.vector_load %arg12[%swap3A_167, %swap3A_168] {strides = array<i32>} : memref<64x256xf32, #tpu.memory_space<vmem>>, vector<16xf32>,
      tpu.vector_store %arg12[%swap3A_167, %swap3A_168], %add3A_166 {strides = array<i32>} : memref<64x256xf32, #tpu.memory_space<vmem>>, vector<16xf32>,
      %mul3A_170 = vector.broadcast %scan3A_18 : f32 to vector<16xf32>
      %mul3A_171 = arith.mulf %scan3A_74#12, %mul3A_170 : vector<16xf32>
      %get3A_172 = arith.constant 192 : index
      %get3A_173 = tpu.vector_load %arg11[%get3A_172] {strides = array<i32>} : memref<256xf32, #tpu.memory_space<vmem>>, vector<16xf32>,
      %add3A_174 = arith.addf %mul3A_171, %get3A_173 : vector<16xf32>
      %swap3A_175 = arith.index_cast %scan3A_32 : i32 to index
      %swap3A_176 = arith.constant 192 : index
      %swap3A_177 = tpu.vector_load %arg12[%swap3A_175, %swap3A_176] {strides = array<i32>} : memref<64x256xf32, #tpu.memory_space<vmem>>, vector<16xf32>,
      tpu.vector_store %arg12[%swap3A_175, %swap3A_176], %add3A_174 {strides = array<i32>} : memref<64x256xf32, #tpu.memory_space<vmem>>, vector<16xf32>,
      %mul3A_178 = vector.broadcast %scan3A_18 : f32 to vector<16xf32>
      %mul3A_179 = arith.mulf %scan3A_74#13, %mul3A_178 : vector<16xf32>
      %get3A_180 = arith.constant 208 : index
      %get3A_181 = tpu.vector_load %arg11[%get3A_180] {strides = array<i32>} : memref<256xf32, #tpu.memory_space<vmem>>, vector<16xf32>,
      %add3A_182 = arith.addf %mul3A_179, %get3A_181 : vector<16xf32>
      %swap3A_183 = arith.index_cast %scan3A_32 : i32 to index
      %swap3A_184 = arith.constant 208 : index
      %swap3A_185 = tpu.vector_load %arg12[%swap3A_183, %swap3A_184] {strides = array<i32>} : memref<64x256xf32, #tpu.memory_space<vmem>>, vector<16xf32>,
      tpu.vector_store %arg12[%swap3A_183, %swap3A_184], %add3A_182 {strides = array<i32>} : memref<64x256xf32, #tpu.memory_space<vmem>>, vector<16xf32>,
      %mul3A_186 = vector.broadcast %scan3A_18 : f32 to vector<16xf32>
      %mul3A_187 = arith.mulf %scan3A_74#14, %mul3A_186 : vector<16xf32>
      %get3A_188 = arith.constant 224 : index
      %get3A_189 = tpu.vector_load %arg11[%get3A_188] {strides = array<i32>} : memref<256xf32, #tpu.memory_space<vmem>>, vector<16xf32>,
      %add3A_190 = arith.addf %mul3A_187, %get3A_189 : vector<16xf32>
      %swap3A_191 = arith.index_cast %scan3A_32 : i32 to index
      %swap3A_192 = arith.constant 224 : index
      %swap3A_193 = tpu.vector_load %arg12[%swap3A_191, %swap3A_192] {strides = array<i32>} : memref<64x256xf32, #tpu.memory_space<vmem>>, vector<16xf32>,
      tpu.vector_store %arg12[%swap3A_191, %swap3A_192], %add3A_190 {strides = array<i32>} : memref<64x256xf32, #tpu.memory_space<vmem>>, vector<16xf32>,
      %mul3A_194 = vector.broadcast %scan3A_18 : f32 to vector<16xf32>
      %mul3A_195 = arith.mulf %scan3A_74#15, %mul3A_194 : vector<16xf32>
      %get3A_196 = arith.constant 240 : index
      %get3A_197 = tpu.vector_load %arg11[%get3A_196] {strides = array<i32>} : memref<256xf32, #tpu.memory_space<vmem>>, vector<16xf32>,
      %add3A_198 = arith.addf %mul3A_195, %get3A_197 : vector<16xf32>
      %swap3A_199 = arith.index_cast %scan3A_32 : i32 to index
      %swap3A_200 = arith.constant 240 : index
      %swap3A_201 = tpu.vector_load %arg12[%swap3A_199, %swap3A_200] {strides = array<i32>} : memref<64x256xf32, #tpu.memory_space<vmem>>, vector<16xf32>,
      tpu.vector_store %arg12[%swap3A_199, %swap3A_200], %add3A_198 {strides = array<i32>} : memref<64x256xf32, #tpu.memory_space<vmem>>, vector<16xf32>,
    }
    %scan3A_23 = arith.constant 64 : i32
    %convert_element_type3A_24 = arith.extui %lt3A_1 : i1 to i32
    %cond3A_25 = arith.constant 0 : i32
    %cond3A_26 = arith.cmpi ne, %convert_element_type3A_24, %cond3A_25 : i32
    scf.if %cond3A_26 {
      %mul3A_32 = arith.constant 64 : i32
      %mul3A_33 = arith.muli %select_n3A, %mul3A_32 : i32
      "tpu.region"() ({
        %run_scoped3A = tpu.sem_alloc : memref<!tpu.dma_semaphore, #tpu.memory_space<semaphore_mem>>
        %dma_start3A_34 = arith.constant 0 : i32
        %dma_start3A_35 = tpu.memref_slice %arg6[%mul3A_33, %dma_start3A_34] : memref<1024x256xf32, #tpu.memory_space<hbm>> -> memref<64x256xf32, #tpu.memory_space<hbm>>
        %dma_start3A_36 = arith.constant 0 : i32
        %dma_start3A_37 = tpu.memref_slice %arg6[%mul3A_33, %dma_start3A_36] : memref<1024x256xf32, #tpu.memory_space<hbm>> -> memref<64x256xf32, #tpu.memory_space<hbm>>
        tpu.enqueue_dma source(%arg12 : memref<64x256xf32, #tpu.memory_space<vmem>>) target(%dma_start3A_37 : memref<64x256xf32, #tpu.memory_space<hbm>>) target_semaphore(%run_scoped3A : memref<!tpu.dma_semaphore, #tpu.memory_space<semaphore_mem>>)
        %dma_wait3A = arith.constant 0 : i32
        %dma_wait3A_38 = tpu.memref_slice %arg6[%mul3A_33, %dma_wait3A] : memref<1024x256xf32, #tpu.memory_space<hbm>> -> memref<64x256xf32, #tpu.memory_space<hbm>>
        %dma_wait3A_39 = arith.constant 0 : i32
        %dma_wait3A_40 = tpu.memref_slice %arg6[%mul3A_33, %dma_wait3A_39] : memref<1024x256xf32, #tpu.memory_space<hbm>> -> memref<64x256xf32, #tpu.memory_space<hbm>>
        tpu.wait_dma2 semaphore(%run_scoped3A : memref<!tpu.dma_semaphore, #tpu.memory_space<semaphore_mem>>) src(%arg12 : memref<64x256xf32, #tpu.memory_space<vmem>>) dst(%dma_wait3A_40 : memref<64x256xf32, #tpu.memory_space<hbm>>)
        tpu.yield
      }) : () -> ()
    } else {
    }
    %not3A_27 = arith.constant true
    %not3A_28 = arith.xori %lt3A_1, %not3A_27 : i1
    %convert_element_type3A_29 = arith.extui %not3A_28 : i1 to i32
    %cond3A_30 = arith.constant 0 : i32
    %cond3A_31 = arith.cmpi ne, %convert_element_type3A_29, %cond3A_30 : i32
    scf.if %cond3A_31 {
      %mul3A_32 = arith.constant 64 : i32
      %mul3A_33 = arith.muli %select_n3A, %mul3A_32 : i32
      "tpu.region"() ({
        %run_scoped3A = tpu.sem_alloc : memref<!tpu.dma_semaphore, #tpu.memory_space<semaphore_mem>>
        %dma_start3A_34 = arith.constant 0 : i32
        %dma_start3A_35 = tpu.memref_slice %arg7[%mul3A_33, %dma_start3A_34] : memref<1024x256xf32, #tpu.memory_space<hbm>> -> memref<64x256xf32, #tpu.memory_space<hbm>>
        %dma_start3A_36 = arith.constant 0 : i32
        %dma_start3A_37 = tpu.memref_slice %arg7[%mul3A_33, %dma_start3A_36] : memref<1024x256xf32, #tpu.memory_space<hbm>> -> memref<64x256xf32, #tpu.memory_space<hbm>>
        tpu.enqueue_dma source(%arg12 : memref<64x256xf32, #tpu.memory_space<vmem>>) target(%dma_start3A_37 : memref<64x256xf32, #tpu.memory_space<hbm>>) target_semaphore(%run_scoped3A : memref<!tpu.dma_semaphore, #tpu.memory_space<semaphore_mem>>)
        %dma_wait3A = arith.constant 0 : i32
        %dma_wait3A_38 = tpu.memref_slice %arg7[%mul3A_33, %dma_wait3A] : memref<1024x256xf32, #tpu.memory_space<hbm>> -> memref<64x256xf32, #tpu.memory_space<hbm>>
        %dma_wait3A_39 = arith.constant 0 : i32
        %dma_wait3A_40 = tpu.memref_slice %arg7[%mul3A_33, %dma_wait3A_39] : memref<1024x256xf32, #tpu.memory_space<hbm>> -> memref<64x256xf32, #tpu.memory_space<hbm>>
        tpu.wait_dma2 semaphore(%run_scoped3A : memref<!tpu.dma_semaphore, #tpu.memory_space<semaphore_mem>>) src(%arg12 : memref<64x256xf32, #tpu.memory_space<vmem>>) dst(%dma_wait3A_40 : memref<64x256xf32, #tpu.memory_space<hbm>>)
        tpu.yield
      }) : () -> ()
    } else {
    }
    return
  }
}

module attributes {stable_mosaic.version = 14 : i64} {
  func.func @_mm_kernel(%arg0: i32, %arg1: memref<5000x300xf32, #tpu.memory_space<vmem>>, %arg2: memref<300x256xf32, #tpu.memory_space<vmem>>, %arg3: memref<5000x128xi32, #tpu.memory_space<vmem>>) attributes {dimension_semantics = [#tpu.dimension_semantics<arbitrary>], iteration_bounds = array<i64: 20>, scalar_prefetch = 0 : i64, scratch_operands = 0 : i64, tpu.core_type = #tpu.core_type<tc>, window_params = [{transform_indices = @transform_0, window_bounds = array<i64: 5000, 300>}, {pipeline_mode = #tpu.pipeline_mode<synchronous>, transform_indices = @transform_1, window_bounds = array<i64: 300, 256>}, {transform_indices = @transform_2, window_bounds = array<i64: 5000, 128>}]} {
    %get3A = arith.constant 0 : index
    %get3A_0 = arith.constant 0 : index
    %get3A_1 = vector.load %arg1[%get3A, %get3A_0] : memref<5000x300xf32, #tpu.memory_space<vmem>>, vector<5000x300xf32>
    %get3A_2 = arith.constant 0 : index
    %get3A_3 = arith.constant 0 : index
    %get3A_4 = vector.load %arg2[%get3A_2, %get3A_3] : memref<300x256xf32, #tpu.memory_space<vmem>>, vector<300x256xf32>
    %dot_general3A = arith.constant dense<0.000000e+00> : vector<5000x256xf32>
    %dot_general3A_5 = tpu.matmul %get3A_1, %get3A_4, %dot_general3A {dimension_numbers = #tpu.dot_dimension_numbers<[1], [0], [0], [1], [0, 0, 1, 1], [], []>, transpose_lhs_hint = false} : vector<5000x300xf32>, vector<300x256xf32>, vector<5000x256xf32> -> vector<5000x256xf32>
    %slice3A = vector.extract_strided_slice %dot_general3A_5 {offsets = [0, 0], sizes = [5000, 128], strides = [1, 1]} : vector<5000x256xf32> to vector<5000x128xf32>
    %convert_element_type3A = arith.truncf %slice3A : vector<5000x128xf32> to vector<5000x128xbf16>
    %convert_element_type3A_6 = arith.extf %convert_element_type3A : vector<5000x128xbf16> to vector<5000x128xf32>
    %bitcast_convert_type3A = tpu.bitcast %convert_element_type3A_6 : vector<5000x128xf32> -> vector<5000x128xi32>
    %shift_right_logical3A = arith.constant 16 : i32
    %shift_right_logical3A_7 = vector.broadcast %shift_right_logical3A : i32 to vector<5000x128xi32>
    %shift_right_logical3A_8 = arith.shrui %bitcast_convert_type3A, %shift_right_logical3A_7 : vector<5000x128xi32>
    %slice3A_9 = vector.extract_strided_slice %dot_general3A_5 {offsets = [0, 128], sizes = [5000, 128], strides = [1, 1]} : vector<5000x256xf32> to vector<5000x128xf32>
    %convert_element_type3A_10 = arith.truncf %slice3A_9 : vector<5000x128xf32> to vector<5000x128xbf16>
    %convert_element_type3A_11 = arith.extf %convert_element_type3A_10 : vector<5000x128xbf16> to vector<5000x128xf32>
    %bitcast_convert_type3A_12 = tpu.bitcast %convert_element_type3A_11 : vector<5000x128xf32> -> vector<5000x128xi32>
    %and3A = arith.constant -65536 : i32
    %and3A_13 = vector.broadcast %and3A : i32 to vector<5000x128xi32>
    %and3A_14 = arith.andi %bitcast_convert_type3A_12, %and3A_13 : vector<5000x128xi32>
    %or3A = arith.ori %and3A_14, %shift_right_logical3A_8 : vector<5000x128xi32>
    %swap3A = arith.constant 0 : index
    %swap3A_15 = arith.constant 0 : index
    %swap3A_16 = vector.load %arg3[%swap3A, %swap3A_15] : memref<5000x128xi32, #tpu.memory_space<vmem>>, vector<5000x128xi32>
    tpu.vector_store %arg3[%swap3A, %swap3A_15], %or3A {strides = array<i32>} : memref<5000x128xi32, #tpu.memory_space<vmem>>, vector<5000x128xi32>,
    return
  }
  func.func @transform_0(%arg0: i32) -> (i32, i32) {
    %c0_i32 = arith.constant 0 : i32
    %c0_i32_0 = arith.constant 0 : i32
    return %arg0, %c0_i32 : i32, i32
  }
  func.func @transform_1(%arg0: i32) -> (i32, i32) {
    %c0_i32 = arith.constant 0 : i32
    %c0_i32_0 = arith.constant 0 : i32
    %c0_i32_1 = arith.constant 0 : i32
    return %c0_i32, %c0_i32_0 : i32, i32
  }
  func.func @transform_2(%arg0: i32) -> (i32, i32) {
    %c0_i32 = arith.constant 0 : i32
    %c0_i32_0 = arith.constant 0 : i32
    return %arg0, %c0_i32 : i32, i32
  }
}

</mosaic_0001>

<sc_bundles>
// kernel: _fused.4.cloned.1.call-start
scs
__scs_entry_jumppad:
0x0: {  	(pc) =	sbr.rel $0x88, $3  }
0x1: {  	(tag) =	ssettag $0x0;
	lr =	simm.s32 $0x1  }
0x2: {  	[smem:$0x3F9C] =	sst lr;
	_ =	strace $0xD0000000  }
0x3: {  	_ = 	snop  }
0x4: {  	_ = 	snop  }
0x5: {  	_ = 	snop  }
0x6: {  	_ = 	snop  }
0x7: {  	_ = 	snop  }
__scs_overlays_trampoline_lowered:
0x8: {  	[smem:$0x3FAB] =	sst s0  }
0x9: {  	[smem:$0x3FAC] =	sst s1  }
0xa: {  	[smem:$0x3FAD] =	sst s2  }
0xb: {  	[smem:$0x3FAE] =	sst s3  }
0xc: {  	[smem:$0x3FAF] =	sst s4  }
0xd: {  	[smem:$0x3FB0] =	sst s5  }
0xe: {  	[smem:$0x3FB1] =	sst s6  }
0xf: {  	[smem:$0x3FB2] =	sst s7  }
0x10: {  	[smem:$0x3FB3] =	sst s8  }
0x11: {  	[smem:$0x3FB4] =	sst s9;
	s0 =	simm.s32 @!p0 $0x0  }
0x12: {  	s1 =	sld [smem:$0x3F9A];
	s0 =	simm.s32 @p0 $0x1  }
0x13: {  	[smem:$0x3FB5] =	sst s0;
	s0 =	simm.s32 @!p1 $0x0  }
0x14: {  	s2 =	sld [smem:$0x3F99];
	s0 =	simm.s32 @p1 $0x1  }
0x15: {  	[smem:$0x3FB6] =	sst s0;
	s0 =	simm.s32 @!p2 $0x0  }
0x16: {  	s3 =	sld [smem:$0x3FDB];
	s0 =	simm.s32 @p2 $0x1  }
0x17: {  	s4 =	simm.s32 $0x1BF5;
	[smem:$0x3FB8] =	sst s0  }
0x18: {  	s0 =	sld [smem:$0x3F9B];
	_ =	swait.ge [sflag:s4], $0x0  }
0x19: {  	s7 =	sld [smem:$0x3F9C]  }
0x1a: {  	s8 =	sadd.s32 $0xFFFFE003, lr  }
0x1b: {  	s9 =	sadd.s32 $0xFFFFFEF7, lr;
	s5 =	simm.s32 $0xFFFFFFFF;
	p2 =	slt.u32 s8, $0xFFFFF086  }
0x1c: {  	p1 =	slt.u32 s9, $0xF7A;
	s5 =	simm.s32 @!p2 $0x0  }
0x1d: {  	s5 =	simm.s32 @p1 $0x1;
	p0 =	seq.s32 s7, s2  }
0x1e: {  	s7 =	smul.u32 @!p0 $0xF7A, s2;
	p2 =	seq.s32 @!p0 s5, $0x0  }
0x1f: {  	s9 =	smul.u32 $0xF7A, s1;
	s8 =	simm.s32 @!p0 $0x1BF5;
	p2 =	por !p2, p0  }
0x20: {  	[sflag:s8] =	ssyncset.s32 @!p0 $0xFFFFF086;
	s6 =	sadd.s32 @!p0 s3, s7;
	s7 =	simm.s32 @!p0 $0x108  }
0x21: {  	s3 =	sadd.s32 s3, s9;
	s6 =	sadd.s32 @!p0 $0x88, s6;
	s7 =	simm.s32 @p2 $0x1082  }
0x22: {  	[simem:s7], [sflag:s8] =	dma.local @!p0 [hbm:s6], $0xF7A  }
0x23: {  	s9 =	sor.u32 $0xD0000000, s2;
	s6 =	simm.s32 $0x108;
	_ =	swait.ge @!p0 [sflag:s8], $0x0  }
0x24: {  	s3 =	sadd.s32 $0x88, s3;
	s6 =	simm.s32 @!p1 $0x1082;
	[sflag:s4] =	ssyncset.s32 $0xFFFFF086  }
0x25: {  	[simem:s6], [sflag:s4] =	dma.local [hbm:s3], $0xF7A  }
0x26: {  	[smem:$0x3F9C] =	sst s1;
	(tag) =	ssettag s2;
	_ =	strace s9  }
0x27: {  	s1 =	sld [smem:$0x3FAC]  }
0x28: {  	s2 =	sld [smem:$0x3FAD]  }
0x29: {  	s4 =	sld [smem:$0x3FAF]  }
0x2a: {  	p0 =	seq.s32 s5, $0x0;
	s5 =	sld [smem:$0x3FB0]  }
0x2b: {  	s6 =	sld [smem:$0x3FB1]  }
0x2c: {  	s7 =	sld [smem:$0x3FB2]  }
0x2d: {  	s3 =	simm.s32 $0x108;
	s8 =	sld [smem:$0x3FB3]  }
0x2e: {  	s3 =	simm.s32 @!p0 $0x1082;
	s9 =	sld [smem:$0x3FB4]  }
0x2f: {  	lr =	sadd.s32 s0, s3;
	s0 =	sld [smem:$0x3FAB]  }
0x30: {  	s3 =	sld [smem:$0x3FAE]  }
0x31: {  	[smem:$0x3FB7] =	sst s10  }
0x32: {  	s10 =	sld [smem:$0x3FB5];
	_ =	sdelay $0x3  }
0x33: {  	p0 =	seq.s32 s10, $0x1;
	s10 =	sld [smem:$0x3FB7];
	_ =	sdelay $0x3  }
0x34: {  	[smem:$0x3FB7] =	sst s10  }
0x35: {  	s10 =	sld [smem:$0x3FB6];
	_ =	sdelay $0x3  }
0x36: {  	p1 =	seq.s32 s10, $0x1;
	s10 =	sld [smem:$0x3FB7];
	_ =	sdelay $0x3  }
0x37: {  	[smem:$0x3FB7] =	sst s10  }
0x38: {  	s10 =	sld [smem:$0x3FB8]  }
0x39: {  	_ = 	snop;
	(pc) =	sbr.ind lr, $3  }
0x3a: {  	_ = 	snop  }
0x3b: {  	_ = 	snop  }
0x3c: {  	p2 =	seq.s32 s10, $0x1;
	s10 =	sld [smem:$0x3FB7]  }
0x3d: {  	_ =	shalt  }
0x3e: {  	_ =	shalt  }
0x3f: {  	_ =	shalt  }
0x40: {  	_ =	shalt  }
0x41: {  	_ =	shalt  }
0x42: {  	_ =	shalt  }
0x43: {  	_ =	shalt  }
0x44: {  	_ =	shalt  }
0x45: {  	_ =	shalt  }
0x46: {  	_ =	shalt  }
0x47: {  	_ =	shalt  }
0x48: {  	_ =	shalt  }
0x49: {  	_ =	shalt  }
0x4a: {  	_ =	shalt  }
0x4b: {  	_ =	shalt  }
0x4c: {  	_ =	shalt  }
0x4d: {  	_ =	shalt  }
0x4e: {  	_ =	shalt  }
0x4f: {  	_ =	shalt  }
0x50: {  	_ =	shalt  }
0x51: {  	_ =	shalt  }
0x52: {  	_ =	shalt  }
0x53: {  	_ =	shalt  }
0x54: {  	_ =	shalt  }
0x55: {  	_ =	shalt  }
0x56: {  	_ =	shalt  }
0x57: {  	_ =	shalt  }
0x58: {  	_ =	shalt  }
0x59: {  	_ =	shalt  }
0x5a: {  	_ =	shalt  }
0x5b: {  	_ =	shalt  }
0x5c: {  	_ =	shalt  }
0x5d: {  	_ =	shalt  }
0x5e: {  	_ =	shalt  }
0x5f: {  	_ =	shalt  }
0x60: {  	_ =	shalt  }
0x61: {  	_ =	shalt  }
0x62: {  	_ =	shalt  }
0x63: {  	_ =	shalt  }
0x64: {  	_ =	shalt  }
0x65: {  	_ =	shalt  }
0x66: {  	_ =	shalt  }
0x67: {  	_ =	shalt  }
0x68: {  	_ =	shalt  }
0x69: {  	_ =	shalt  }
0x6a: {  	_ =	shalt  }
0x6b: {  	_ =	shalt  }
0x6c: {  	_ =	shalt  }
0x6d: {  	_ =	shalt  }
0x6e: {  	_ =	shalt  }
0x6f: {  	_ =	shalt  }
0x70: {  	_ =	shalt  }
0x71: {  	_ =	shalt  }
0x72: {  	_ =	shalt  }
0x73: {  	_ =	shalt  }
0x74: {  	_ =	shalt  }
0x75: {  	_ =	shalt  }
0x76: {  	_ =	shalt  }
0x77: {  	_ =	shalt  }
0x78: {  	_ =	shalt  }
0x79: {  	_ =	shalt  }
0x7a: {  	_ =	shalt  }
0x7b: {  	_ =	shalt  }
0x7c: {  	_ =	shalt  }
0x7d: {  	_ =	shalt  }
0x7e: {  	_ =	shalt  }
0x7f: {  	_ =	shalt  }
0x80: {  	_ =	shalt  }
0x81: {  	_ =	shalt  }
0x82: {  	_ =	shalt  }
0x83: {  	_ =	shalt  }
0x84: {  	_ =	shalt  }
0x85: {  	_ =	shalt  }
0x86: {  	_ =	shalt  }
0x87: {  	_ =	shalt  }
.Lfunc_end0:
.L_simem_size_0:
called_computation_lowered:
.L_overlay_start_0:
0x88: {  	s2 =	sld [smem:$0x3FD9]  }
0x89: {  	s3 =	sld [smem:$0x3FFE];
	_ =	sdelay $0x1  }
0x8a: {  	s1 =	srdreg.scid  }
0x8b: {  	s0 =	sand.u32 $0x1, s1  }
0x8c: {  	s14 =	sshll.u32 s0, $0xA;
	s2 =	sadd.s32 s3, s2  }
0x8d: {  	s2 =	sadd.s32 s2, s14  }
0x8e: {  	[smem:$0x3FC3] =	sst s2  }
0x8f: {  	_ = 	snop  }
0x90: {  	s2 =	sld [smem:$0x3FD0];
	_ =	sdelay $0x2  }
0x91: {  	s4 =	simm.s32 $0xA;
	s5 =	simm.s32 $0x10;
	s15 =	sld [smem:$0x3FC5]  }
0x92: {  	[smem:s5], [sflag:s4] =	dma.local [hbm:s2], $0x1  }
0x93: {  	_ =	swait.eq [sflag:s4], $0x1  }
0x94: {  	[sflag:s4] =	ssyncset.done $0x0  }
0x95: {  	s16 =	sld [smem:$0x10];
	[sflag:s4] =	ssyncadd.s32 $0xFFFFFFFF  }
0x96: {  	s17 =	sld [smem:$0x11];
	(tm) =	ssettm $0x1  }
0x97: {  	s18 =	sld [smem:$0x3FFB];
	_ =	sdelay $0x3  }
0x98: {  	_ =	strace s18  }
0x99: {  	s5 =	sld [smem:$0x3FFC];
	_ =	sdelay $0x3  }
0x9a: {  	_ =	strace s5  }
0x9b: {  	s5 =	sld [smem:$0x3FFD];
	_ =	sdelay $0x3  }
0x9c: {  	_ =	strace s5  }
0x9d: {  	_ =	strace $0x8FFFFFFF  }
0x9e: {  	s19 =	sld [smem:$0x3FDB];
	_ =	sdelay $0x1  }
0x9f: {  	s6 =	simm.s32 $_scs_section_size  }
0xa0: {  	s7 =	simm.s32 $_size__tile_overlayer_lowered;
	s8 =	simm.s32 $_tile_overlayer_lowered  }
0xa1: {  	s22 =	simm.s32 $0x1BFF;
	s21 =	sshll.u32 s8, $0x1;
	s5 =	sadd.s32 s6, s19  }
0xa2: {  	s9 =	simm.s32 $0x0;
	s20 =	sshll.u32 s7, $0x1;
	s7 =	sadd.s32 s21, s5  }
0xa3: {  	[timem:s9], [sflag:s22] =	dma.local [hbm:s7], s20  }
0xa4: {  	_ =	swait.ge [sflag:s22], s20  }
0xa5: {  	s6 =	ssub.s32 $0x0, s20;
	[sflag:s22] =	ssyncset.done $0x0  }
0xa6: {  	[sflag:s22] =	ssyncadd.s32 s6;
	_ =	sdelay $0x1  }
0xa7: {  	s23 =	simm.s32 $0x1B8B  }
0xa8: {  	_ =	swait.ge [sflag:s23], $0x1  }
0xa9: {  	[sflag:s23] =	ssyncset.done $0x0  }
0xaa: {  	s25 =	simm.s32 $0x1B8E;
	s24 =	sld [smem:$0x3FFE];
	[sflag:s23] =	ssyncadd.s32 $0xFFFFFFFF  }
0xab: {  	s26 =	simm.s32 $execute0_lowered;
	[smem:$0x3FD2] =	sst s25  }
0xac: {  	s7 =	sshll.u32 s26, $0x1;
	_ =	strace $0x80000046;
	[dreg:$0x1] =	wrdreg $0xFFFFFFFF  }
0xad: {  	s28 =	simm.s32 $_size_execute0_lowered;
	s5 =	sadd.s32 s5, s7;
	[dreg:$0x0] =	wrdreg $0x0  }
0xae: {  	s7 =	sshll.u32 s28, $0x1;
	[dreg:$0x2] =	wrdreg s5  }
0xaf: {  	[dreg:$0x3] =	wrdreg s7  }
0xb0: {  	[dreg:$0x4] =	wrdreg $0xC0  }
0xb1: {  	_ =	task [dreg:s9], $0x5FFFF  }
0xb2: {  	[dreg:$0x1] =	wrdreg $0xFFFFFFFF  }
0xb3: {  	[dreg:$0x0] =	wrdreg $0x60  }
0xb4: {  	[dreg:$0x2] =	wrdreg s17  }
0xb5: {  	[dreg:$0x3] =	wrdreg s24  }
0xb6: {  	[dreg:$0x4] =	wrdreg s15  }
0xb7: {  	[dreg:$0x5] =	wrdreg s16  }
0xb8: {  	[dreg:$0x6] =	wrdreg $0x9  }
0xb9: {  	_ =	task.clear_ibuf [dreg:s9], $0x7FFFF;
	_ =	strace $0x90000046  }
0xba: {  	s29 =	simm.s32 $0x9;
	_ =	strace $0x80000048  }
0xbb: {  	_ =	swait.ge [sflag:s29], $0x1  }
0xbc: {  	[sflag:s29] =	ssyncadd.s32 $0xFFFFFFFF  }
0xbd: {  	_ =	strace $0x90000048  }
0xbe: {  	_ =	sfence  }
0xbf: {  	s30 =	sld [smem:$0x0];
	_ =	sdelay $0x2  }
0xc0: {  	s31 =	sshll.u32 s1, $0xD;
	s1 =	sshrl.u32 s1, $0x2  }
0xc1: {  	s3 =	sand.u32 $0x4000, s31;
	s1 =	sadd.s32 s1, s30  }
0xc2: {  	s0 =	sor.u32 s3, s0;
	s1 =	sshll.u32 s1, $0x11  }
0xc3: {  	s0 =	sor.u32 s1, s0  }
0xc4: {  	s0 =	sadd.s32 $0x8F2B, s0  }
0xc5: {  	[sflag:s0] =	ssyncadd.remote.s32 $0x1  }
0xc6: {  	_ =	sfence.sel $0xFFFF  }
0xc7: {  	[dreg:$0x0] =	wrdreg $0xFFFFFFFF;
	(pc) =	sbr.abs _section_cstart, $3  }
0xc8: {  	[dreg:$0x1] =	wrdreg $0xFFFFFFFF  }
0xc9: {  	_ =	task.clear_ibuf [dreg:s9], $0x2FFFF;
	_ =	strace $0x9FFFFFFF  }
0xca: {  	(tm) =	ssettm $0x7FFFFFFF  }
0xcb: {  	_ =	shalt  }
tec
execute0_lowered:
.L_overlay_start_1:
0x0: {  	(tag) =	ssettag $0x1  }
0x1: {  	s7 =	rddreg [dreg:$0x0]  }
0x2: {  	s5 =	rddreg [dreg:$0x1]  }
0x3: {  	s1 =	rddreg [dreg:$0x2]  }
0x4: {  	s6 =	rddreg [dreg:$0x3]  }
0x5: {  	s0 =	rddreg [dreg:$0x4];
	s3 =	simm.s32 $0x0;
	s4 =	srdreg.scid  }
0x6: {  	s2 =	stileid.u32;
	s14 =	simm.s32 $0x6600;
	s15 =	simm.s32 $0x2  }
0x7: {  	s16 =	simm.s32 $0x9700;
	s17 =	simm.s32 $0x0;
	[smem:$0x7FF] =	sst s3  }
0x8: {  	s4 =	sand.u32 $0x1, s4;
	s8 =	sshll.u32 s2, $0x1;
	p0 =	sgt.u32 s2, $0x7  }
0x9: {  	s11 =	sadd.s32 $0x494E00, s5;
	_ =	strace $0x80000047;
	s8 =	sor.u32 s4, s8  }
0xa: {  	s12 =	ssub.s32 $0x2, s4;
	s4 =	sadd.s32 $0x49B200, s5;
	s7 =	smov.u32 @p0 s11  }
0xb: {  	s11 =	simm.s32 $0x3200;
	s9 =	sshll.u32 s8, $0xB;
	s10 =	sadd.s32 $0xFFFFFFF0, s8  }
0xc: {  	s29 =	sshrl.u32 s12, $0x1;
	s8 =	smov.u32 @p0 s10;
	s5 =	sadd.s32 s9, s5  }
0xd: {  	s30 =	ssub.s32 s12, s29;
	s9 =	simm.s32 $0x9600;
	s13 =	smul.u32 $0x3200, s8  }
0xe: {  	s10 =	simm.s32 $0x68;
	s12 =	simm.s32 $0x1;
	s8 =	sshll.u32 s8, $0xB  }
0xf: {  	s5 =	sadd.s32 $0x1000, s5;
	s8 =	sand.u32 $0x1FFFF800, s8;
	s31 =	sshrl.u32 s13, $0x3  }
0x10: {  	s8 =	sadd.s32 s6, s8;
	s6 =	smax.u32 s30, $0x1;
	s13 =	simm.s32 $0x60  }
0x11: {  	s5 =	smov.u32 @p0 s8;
	s7 =	sadd.s32 s7, s31;
	s8 =	simm.s32 $0x3  }
.LBB2_1:
0x12: {  	[tilespmem:s3], [sflag:$0x3] =	stream.linear.gather [hbm4b:s7+s3], $0x3200, $0x38;
	[tilespmem:$0xD700] =	vst v63  }
0x13: {  	_ =	swait.ge [sflag:s8], $0x3200  }
0x14: {  	[sflag:s8] =	ssyncset.done $0x0  }
0x15: {  	[sflag:s8] =	ssyncadd.s32 $0xFFFFCE00  }
0x16: {  	[tilespmem:s9], [sflag:$0x3] =	stream.linear.gather [hbm4b:s1+s3], $0x100, $0x38;
	[tilespmem:$0xD700] =	vst v63  }
0x17: {  	_ =	swait.ge [sflag:s8], $0x100  }
0x18: {  	[sflag:s8] =	ssyncset.done $0x0  }
0x19: {  	s18 =	simm.s32 $0x0;
	[sflag:s8] =	ssyncadd.s32 $0xFFFFFF00  }
0x1a: {  	[tilespmem:s11], [sflag:$0x1] =	stream.indirect.gather [hbm4b:s4+s10], $0x80, s3, s10, $0xb8;
	[tilespmem:$0xD700] =	vst v63  }
.LBB2_2:
0x1b: {  	s19 =	smul.u32 $0x320, s18  }
0x1c: {  	_ =	swait.ge [sflag:s12], $0x3400  }
0x1d: {  	[sflag:s12] =	ssyncset.done $0x0;
	s19 =	sshra.s32 s19, $0x2  }
0x1e: {  	s20 =	simm.s32 $0x0;
	[sflag:s12] =	ssyncadd.s32 $0xFFFFCC00;
	s19 =	sadd.s32 $0x68, s19  }
0x1f: {  	[tilespmem:s14], [sflag:$0x2] =	stream.indirect.gather [hbm4b:s4+s13], $0x80, s19, s13, $0xb8;
	[tilespmem:$0xD700] =	vst v63  }
0x20: {  	v2 =	vld [tilespmem:s20+$0x3250]  }
0x21: {  	v4 =	vld [tilespmem:s20+$0x3240]  }
0x22: {  	v5 =	vld [tilespmem:s20+$0x3270]  }
0x23: {  	v0 =	vimm.f32 $0.0e+00;
	v16 =	vimm.f32 $0.0e+00;
	v3 =	vld [tilespmem:s20+$0x3260]  }
0x24: {  	v11 =	vimm.f32 $0.0e+00;
	v15 =	vimm.f32 $0.0e+00;
	v10 =	vimm.f32 $0.0e+00  }
0x25: {  	v12 =	vimm.f32 $0.0e+00;
	v9 =	vimm.f32 $0.0e+00;
	v13 =	vimm.f32 $0.0e+00  }
0x26: {  	v14 =	vimm.f32 $0.0e+00;
	v18 =	vimm.f32 $0.0e+00;
	v17 =	vld [tilespmem:s20+$0x3210];
	v1 =	vshll.u32 v4, $0x10  }
0x27: {  	v20 =	vld [tilespmem:s20+$0x3220];
	v23 =	vand.u32 $0xFFFF0000, v5;
	v19 =	vand.u32 $0xFFFF0000, v4;
	v4 =	vshll.u32 v2, $0x10  }
0x28: {  	v22 =	vld [tilespmem:s20+$0x3200];
	v6 =	vand.u32 $0xFFFF0000, v3;
	v24 =	vand.u32 $0xFFFF0000, v2;
	v2 =	vimm.f32 $0.0e+00  }
0x29: {  	v21 =	vld [tilespmem:s20+$0x3230];
	v8 =	vadd.f32 v1, v0;
	v1 =	vshll.u32 v5, $0x10;
	v5 =	vadd.f32 v4, v0  }
0x2a: {  	s19 =	simm.s32 $0x200;
	v7 =	vadd.f32 v6, v0;
	v4 =	vimm.f32 $0.0e+00;
	v6 =	vimm.f32 $0.0e+00  }
.LBB2_3:
0x2b: {  	s20 =	sshra.s32 s19, $0x2;
	p0 =	sne.s32 s19, $0xCE00;
	s19 =	sadd.s32 $0x200, s19;
	v25 =	vshll.u32 v17, $0x10;
	v0 =	vadd.f32 v1, v0;
	v16 =	vadd.f32 v23, v16  }
0x2c: {  	v1 =	vand.u32 $0xFFFF0000, v17;
	v17 =	vand.u32 $0xFFFF0000, v20;
	v2 =	vadd.f32 v24, v2;
	v26 =	vld [tilespmem:s20+$0x3250]  }
0x2d: {  	v11 =	vadd.f32 v25, v11;
	v24 =	vld [tilespmem:s20+$0x3240];
	v23 =	vshll.u32 v22, $0x10;
	v22 =	vand.u32 $0xFFFF0000, v22  }
0x2e: {  	v15 =	vadd.f32 v1, v15;
	v1 =	vshll.u32 v20, $0x10;
	v25 =	vld [tilespmem:s20+$0x3270];
	v27 =	vshll.u32 v21, $0x10  }
0x2f: {  	v6 =	vadd.f32 v17, v6;
	v4 =	vadd.f32 v22, v4;
	v21 =	vand.u32 $0xFFFF0000, v21;
	v28 =	vld [tilespmem:s20+$0x3260]  }
0x30: {  	v12 =	vadd.f32 v19, v12;
	v10 =	vadd.f32 v1, v10;
	v1 =	vshll.u32 v3, $0x10;
	v17 =	vld [tilespmem:s20+$0x3210]  }
.Ltmp0:
0x31: {  	v9 =	vadd.f32 v23, v9;
	v13 =	vadd.f32 v1, v13;
	v20 =	vld [tilespmem:s20+$0x3220];
	(pc) =	sbr.rel @p0 .LBB2_3-.Ltmp0, $4  }
0x32: {  	v14 =	vadd.f32 v27, v14;
	v18 =	vadd.f32 v21, v18;
	v1 =	vshll.u32 v24, $0x10  }
0x33: {  	v22 =	vld [tilespmem:s20+$0x3200];
	v8 =	vadd.f32 v1, v8;
	v1 =	vshll.u32 v25, $0x10;
	v23 =	vand.u32 $0xFFFF0000, v25  }
0x34: {  	v19 =	vand.u32 $0xFFFF0000, v24;
	v25 =	vshll.u32 v26, $0x10;
	v21 =	vld [tilespmem:s20+$0x3230];
	v27 =	vand.u32 $0xFFFF0000, v28;
	v3 =	vmovc v28  }
0x35: {  	v24 =	vand.u32 $0xFFFF0000, v26;
	v5 =	vadd.f32 v25, v5;
	v7 =	vadd.f32 v27, v7  }
0x36: {  	s19 =	sadd.s32 $0x1, s18;
	p0 =	seq.s32 s18, $0x3F  }
0x37: {  	_ =	swait.ge [sflag:s15], $0x3000;
	s20 =	smul.u32 @!p0 $0x320, s19  }
0x38: {  	s31 =	simm.s32 $0x0;
	[sflag:s15] =	ssyncset.done $0x0;
	s21 =	simm.s32 @!p0 $0x68  }
0x39: {  	s22 =	simm.s32 @!p0 $0x3200;
	[sflag:s15] =	ssyncadd.s32 $0xFFFFD000;
	s20 =	sshra.s32 @!p0 s20, $0x2  }
0x3a: {  	v25 =	vshll.u32 v17, $0x10;
	v1 =	vadd.f32 v1, v0;
	[tilespmem:s22], [sflag:$0x1] =	stream.indirect.gather @!p0 [hbm4b:s4+s21], $0x80, s20, s21, $0xb8;
	[tilespmem:$0xD700] =	vst v63  }
0x3b: {  	v0 =	vadd.f32 v23, v16;
	v16 =	vand.u32 $0xFFFF0000, v17;
	v23 =	vand.u32 $0xFFFF0000, v20;
	v26 =	vld [tilespmem:s31+$0x6650]  }
0x3c: {  	v2 =	vadd.f32 v24, v2;
	v3 =	vshll.u32 v3, $0x10;
	v17 =	vadd.f32 v25, v11;
	v27 =	vld [tilespmem:s31+$0x6640]  }
0x3d: {  	v15 =	vadd.f32 v16, v15;
	v16 =	vshll.u32 v20, $0x10;
	v11 =	vadd.f32 v23, v6;
	v25 =	vld [tilespmem:s31+$0x6670]  }
0x3e: {  	v3 =	vadd.f32 v3, v13;
	v24 =	vshll.u32 v22, $0x10;
	v22 =	vand.u32 $0xFFFF0000, v22;
	v6 =	vld [tilespmem:s31+$0x6660]  }
0x3f: {  	v16 =	vadd.f32 v16, v10;
	v28 =	vshll.u32 v21, $0x10;
	v20 =	vadd.f32 v22, v4  }
0x40: {  	v4 =	vadd.f32 v19, v12;
	v10 =	vand.u32 $0xFFFF0000, v21;
	v23 =	vadd.f32 v24, v9;
	v24 =	vld [tilespmem:s31+$0x6610]  }
0x41: {  	v12 =	vadd.f32 v28, v14;
	v9 =	vadd.f32 v10, v18;
	v19 =	vld [tilespmem:s31+$0x6620];
	v10 =	vshll.u32 v27, $0x10  }
0x42: {  	v14 =	vshll.u32 v25, $0x10;
	v13 =	vand.u32 $0xFFFF0000, v25;
	v25 =	vld [tilespmem:s31+$0x6600];
	v18 =	vand.u32 $0xFFFF0000, v27  }
0x43: {  	v21 =	vld [tilespmem:s31+$0x6630];
	v27 =	vand.u32 $0xFFFF0000, v6;
	v8 =	vadd.f32 v10, v8;
	v10 =	vshll.u32 v26, $0x10  }
0x44: {  	s20 =	simm.s32 $0x200;
	v22 =	vand.u32 $0xFFFF0000, v26;
	v10 =	vadd.f32 v10, v5;
	v5 =	vadd.f32 v27, v7  }
.LBB2_5:
0x45: {  	s21 =	sshra.s32 s20, $0x2;
	p0 =	sne.s32 s20, $0xBE00;
	s20 =	sadd.s32 $0x200, s20;
	v7 =	vshll.u32 v24, $0x10;
	v1 =	vadd.f32 v14, v1;
	v0 =	vadd.f32 v13, v0  }
0x46: {  	v13 =	vand.u32 $0xFFFF0000, v24;
	v14 =	vand.u32 $0xFFFF0000, v19;
	v2 =	vadd.f32 v22, v2;
	v26 =	vld [tilespmem:s21+$0x6650]  }
0x47: {  	v17 =	vadd.f32 v7, v17;
	v22 =	vld [tilespmem:s21+$0x6640];
	v27 =	vshll.u32 v25, $0x10;
	v24 =	vand.u32 $0xFFFF0000, v25  }
0x48: {  	v15 =	vadd.f32 v13, v15;
	v13 =	vshll.u32 v19, $0x10;
	v7 =	vld [tilespmem:s21+$0x6670];
	v25 =	vshll.u32 v21, $0x10  }
0x49: {  	v11 =	vadd.f32 v14, v11;
	v20 =	vadd.f32 v24, v20;
	v14 =	vand.u32 $0xFFFF0000, v21;
	v28 =	vld [tilespmem:s21+$0x6660]  }
0x4a: {  	v4 =	vadd.f32 v18, v4;
	v6 =	vshll.u32 v6, $0x10;
	v16 =	vadd.f32 v13, v16;
	v24 =	vld [tilespmem:s21+$0x6610]  }
.Ltmp1:
0x4b: {  	v3 =	vadd.f32 v6, v3;
	v23 =	vadd.f32 v27, v23;
	v19 =	vld [tilespmem:s21+$0x6620];
	(pc) =	sbr.rel @p0 .LBB2_5-.Ltmp1, $4  }
0x4c: {  	v12 =	vadd.f32 v25, v12;
	v9 =	vadd.f32 v14, v9;
	v29 =	vshll.u32 v22, $0x10  }
0x4d: {  	v25 =	vld [tilespmem:s21+$0x6600];
	v8 =	vadd.f32 v29, v8;
	v14 =	vshll.u32 v7, $0x10;
	v13 =	vand.u32 $0xFFFF0000, v7  }
0x4e: {  	v18 =	vand.u32 $0xFFFF0000, v22;
	v7 =	vshll.u32 v26, $0x10;
	v21 =	vld [tilespmem:s21+$0x6630];
	v27 =	vand.u32 $0xFFFF0000, v28;
	v6 =	vmovc v28  }
0x4f: {  	v22 =	vand.u32 $0xFFFF0000, v26;
	v10 =	vadd.f32 v7, v10;
	v5 =	vadd.f32 v27, v5  }
0x50: {  	_ =	sdelay $0x1  }
0x51: {  	v26 =	vld [tilespmem:$0x9600];
	v7 =	vshll.u32 v25, $0x10  }
0x52: {  	v7 =	vadd.f32 v7, v23;
	_ =	sdelay $0x1  }
0x53: {  	v7 =	vmul.f32 $4.999999890e-03, v7;
	_ =	sdelay $0x1  }
0x54: {  	s18 =	sshll.u32 s18, $0x8;
	v7 =	vadd.f32 v26, v7  }
0x55: {  	s18 =	sand.u32 $0x3FFFFF00, s18  }
0x56: {  	[tilespmem:s18+$0x9700] =	vst v7  }
0x57: {  	v46 =	vand.u32 $0xFFFF0000, v25;
	v47 =	vld [tilespmem:$0x9610]  }
0x58: {  	v7 =	vadd.f32 v46, v20;
	_ =	sdelay $0x1  }
0x59: {  	v7 =	vmul.f32 $4.999999890e-03, v7;
	_ =	sdelay $0x1  }
0x5a: {  	v7 =	vadd.f32 v47, v7;
	_ =	sdelay $0x1  }
0x5b: {  	[tilespmem:s18+$0x9710] =	vst v7  }
0x5c: {  	v48 =	vshll.u32 v24, $0x10;
	v49 =	vld [tilespmem:$0x9620]  }
0x5d: {  	v7 =	vadd.f32 v48, v17;
	_ =	sdelay $0x1  }
0x5e: {  	v7 =	vmul.f32 $4.999999890e-03, v7;
	_ =	sdelay $0x1  }
0x5f: {  	v7 =	vadd.f32 v49, v7;
	_ =	sdelay $0x1  }
0x60: {  	[tilespmem:s18+$0x9720] =	vst v7  }
0x61: {  	v50 =	vand.u32 $0xFFFF0000, v24;
	v51 =	vld [tilespmem:$0x9630]  }
0x62: {  	v7 =	vadd.f32 v50, v15;
	_ =	sdelay $0x1  }
0x63: {  	v7 =	vmul.f32 $4.999999890e-03, v7;
	_ =	sdelay $0x1  }
0x64: {  	v7 =	vadd.f32 v51, v7;
	_ =	sdelay $0x1  }
0x65: {  	[tilespmem:s18+$0x9730] =	vst v7  }
0x66: {  	v52 =	vshll.u32 v19, $0x10;
	v53 =	vld [tilespmem:$0x9640]  }
0x67: {  	v7 =	vadd.f32 v52, v16;
	_ =	sdelay $0x1  }
0x68: {  	v7 =	vmul.f32 $4.999999890e-03, v7;
	_ =	sdelay $0x1  }
0x69: {  	v7 =	vadd.f32 v53, v7;
	_ =	sdelay $0x1  }
0x6a: {  	[tilespmem:s18+$0x9740] =	vst v7  }
0x6b: {  	v54 =	vand.u32 $0xFFFF0000, v19;
	v55 =	vld [tilespmem:$0x9650]  }
0x6c: {  	v7 =	vadd.f32 v54, v11;
	_ =	sdelay $0x1  }
0x6d: {  	v7 =	vmul.f32 $4.999999890e-03, v7;
	_ =	sdelay $0x1  }
0x6e: {  	v7 =	vadd.f32 v55, v7;
	_ =	sdelay $0x1  }
0x6f: {  	[tilespmem:s18+$0x9750] =	vst v7  }
0x70: {  	v56 =	vshll.u32 v21, $0x10;
	v57 =	vld [tilespmem:$0x9660]  }
0x71: {  	v7 =	vadd.f32 v56, v12;
	_ =	sdelay $0x1  }
0x72: {  	v7 =	vmul.f32 $4.999999890e-03, v7;
	_ =	sdelay $0x1  }
0x73: {  	v7 =	vadd.f32 v57, v7;
	_ =	sdelay $0x1  }
0x74: {  	[tilespmem:s18+$0x9760] =	vst v7  }
0x75: {  	v58 =	vand.u32 $0xFFFF0000, v21;
	v59 =	vld [tilespmem:$0x9670]  }
0x76: {  	v7 =	vadd.f32 v58, v9;
	_ =	sdelay $0x1  }
0x77: {  	v7 =	vmul.f32 $4.999999890e-03, v7;
	_ =	sdelay $0x1  }
0x78: {  	v7 =	vadd.f32 v59, v7;
	_ =	sdelay $0x1  }
0x79: {  	[tilespmem:s18+$0x9770] =	vst v7  }
0x7a: {  	v7 =	vld [tilespmem:$0x9680];
	_ =	sdelay $0x2  }
0x7b: {  	v8 =	vmul.f32 $4.999999890e-03, v8;
	_ =	sdelay $0x1  }
0x7c: {  	v7 =	vadd.f32 v7, v8;
	_ =	sdelay $0x1  }
0x7d: {  	[tilespmem:s18+$0x9780] =	vst v7  }
0x7e: {  	v7 =	vld [tilespmem:$0x9690]  }
0x7f: {  	v4 =	vadd.f32 v18, v4;
	_ =	sdelay $0x1  }
0x80: {  	v4 =	vmul.f32 $4.999999890e-03, v4;
	_ =	sdelay $0x1  }
0x81: {  	v4 =	vadd.f32 v7, v4;
	_ =	sdelay $0x1  }
0x82: {  	[tilespmem:s18+$0x9790] =	vst v4  }
0x83: {  	v4 =	vld [tilespmem:$0x96A0];
	_ =	sdelay $0x2  }
0x84: {  	v60 =	vmul.f32 $4.999999890e-03, v10;
	_ =	sdelay $0x1  }
0x85: {  	v4 =	vadd.f32 v4, v60;
	_ =	sdelay $0x1  }
0x86: {  	[tilespmem:s18+$0x97A0] =	vst v4  }
0x87: {  	v4 =	vld [tilespmem:$0x96B0]  }
0x88: {  	v2 =	vadd.f32 v22, v2;
	_ =	sdelay $0x1  }
0x89: {  	v2 =	vmul.f32 $4.999999890e-03, v2;
	_ =	sdelay $0x1  }
0x8a: {  	v2 =	vadd.f32 v4, v2;
	_ =	sdelay $0x1  }
0x8b: {  	[tilespmem:s18+$0x97B0] =	vst v2  }
0x8c: {  	v61 =	vshll.u32 v6, $0x10;
	v62 =	vld [tilespmem:$0x96C0]  }
0x8d: {  	v2 =	vadd.f32 v61, v3;
	_ =	sdelay $0x1  }
0x8e: {  	v2 =	vmul.f32 $4.999999890e-03, v2;
	_ =	sdelay $0x1  }
0x8f: {  	v2 =	vadd.f32 v62, v2;
	_ =	sdelay $0x1  }
0x90: {  	[tilespmem:s18+$0x97C0] =	vst v2  }
0x91: {  	v2 =	vld [tilespmem:$0x96D0];
	_ =	sdelay $0x2  }
0x92: {  	v63 =	vmul.f32 $4.999999890e-03, v5;
	_ =	sdelay $0x1  }
0x93: {  	v2 =	vadd.f32 v2, v63;
	_ =	sdelay $0x1  }
0x94: {  	[tilespmem:s18+$0x97D0] =	vst v2  }
0x95: {  	v2 =	vld [tilespmem:$0x96E0]  }
0x96: {  	v1 =	vadd.f32 v14, v1;
	_ =	sdelay $0x1  }
0x97: {  	v1 =	vmul.f32 $4.999999890e-03, v1;
	_ =	sdelay $0x1  }
0x98: {  	v1 =	vadd.f32 v2, v1;
	_ =	sdelay $0x1  }
0x99: {  	[tilespmem:s18+$0x97E0] =	vst v1  }
0x9a: {  	v1 =	vld [tilespmem:$0x96F0]  }
0x9b: {  	v0 =	vadd.f32 v13, v0  }
0x9c: {  	p0 =	sne.s32 s19, $0x40  }
.Ltmp2:
0x9d: {  	v0 =	vmul.f32 $4.999999890e-03, v0;
	(pc) =	sbr.rel @p0 .LBB2_2-.Ltmp2, $3  }
0x9e: {  	_ = 	snop  }
0x9f: {  	v0 =	vadd.f32 v1, v0;
	_ =	sdelay $0x1  }
0xa0: {  	[tilespmem:s18+$0x97F0] =	vst v0;
	s18 =	smov.u32 s19  }
0xa1: {  	s17 =	sadd.s32 $0x1, s17  }
0xa2: {  	p0 =	sne.s32 s17, s6  }
.Ltmp3:
0xa3: {  	_ = 	snop;
	(pc) =	sbr.rel @p0 .LBB2_1-.Ltmp3, $4  }
0xa4: {  	[hbm4b:s5+s3] =	stream.linear.scatter [tilespmem:s16], [sflag:$0x3], $0x4000, $0x38;
	[tilespmem:$0xD700] =	vst v63  }
0xa5: {  	_ =	swait.ge [sflag:s8], $0x4000  }
0xa6: {  	[sflag:s8] =	ssyncset.done $0x0  }
0xa7: {  	[sflag:s8] =	ssyncadd.s32 $0xFFFFC000  }
0xa8: {  	_ =	sfence.sel $0x180000  }
0xa9: {  	[bflag:$0x0] =	sbarrier.arrive $0xFFFF  }
0xaa: {  	p0 =	sne.s32 s2, $0x0;
	_ =	strace $0x90000047  }
0xab: {  	s0 =	sadd.s32 @!p0 $0x100000, s0;
	[bflag:$0x2] =	sbarrier.arrive $0xFFFF  }
0xac: {  	[sflag:s0] =	ssyncadd.tile.s32 @!p0 $0x1;
	_ =	shalt  }
.Lfunc_end2:
_tile_overlayer_lowered:
.L_overlay_start_2:
0xad: {  	(tag) =	ssettag $0x2  }
0xae: {  	s0 =	rddreg [dreg:$0x0];
	s2 =	stileid.u32  }
0xaf: {  	s1 =	rddreg [dreg:$0x1];
	p0 =	sne.s32 s2, $0x0  }
0xb0: {  	s3 =	rddreg [dreg:$0x2];
	[bflag:$0x3] =	sbarrier.arrive $0xFFFF;
	s2 =	simm.s32 @!p0 $0x1C03  }
0xb1: {  	[timem:s3], [sflag:s2] =	dma.local @!p0 [hbm:s0], s1  }
0xb2: {  	s0 =	simm.s32 @!p0 $0x3  }
0xb3: {  	_ =	swait.ge @!p0 [sflag:s0], s1  }
0xb4: {  	s1 =	ssub.s32 @!p0 $0x0, s1;
	[sflag:s0] =	ssyncset.done @!p0 $0x0  }
0xb5: {  	[sflag:s0] =	ssyncadd.s32 @!p0 s1  }
0xb6: {  	[bflag:$0x3] =	sbarrier.arrive $0xFFFF  }
0xb7: {  	_ =	shalt  }

</sc_bundles>
